<compile_context>
chip_gen: v7x
topology: tpu7x:2x2x1
jax: 0.10.2.dev20260603
libtpu: 0.0.44.dev20260713+nightly
codegen_flags: <defaults>
</compile_context>

<pallas_src>
import functools

import jax
import jax.numpy as jnp
from jax import lax
from jax.experimental import pallas as pl
from jax.experimental.pallas import tpu as pltpu
from jax.experimental.pallas import tpu_sc as plsc

B = 16384
N_FIELDS = 26
FIELD_DIM = 1000
TOTAL = N_FIELDS * FIELD_DIM

NUM_CORES = 2
NUM_SUBCORES = 16
LANES = 16
NW = NUM_CORES * NUM_SUBCORES
BPW = B // NW
NCHUNK = BPW // LANES

_mesh = plsc.VectorSubcoreMesh(core_axis_name="c", subcore_axis_name="s")


def _tree_sum(vs):
    while len(vs) > 1:
        pairs = [vs[i] + vs[i + 1] for i in range(0, len(vs) - 1, 2)]
        if len(vs) % 2:
            pairs.append(vs[-1])
        vs = pairs
    return vs[0]


@functools.partial(
    pl.kernel,
    out_type=jax.ShapeDtypeStruct((B,), jnp.float32),
    mesh=_mesh,
    scratch_types=[
        pltpu.VMEM((TOTAL,), jnp.float32),
        pltpu.VMEM((N_FIELDS, BPW), jnp.int32),
        pltpu.VMEM((BPW,), jnp.float32),
        pltpu.VMEM((1,), jnp.float32),
        pltpu.SemaphoreType.DMA,
        pltpu.SemaphoreType.DMA,
    ],
    compiler_params=pltpu.CompilerParams(needs_layout_passes=False),
)
def _features_linear(xt_hbm, w_hbm, b_hbm, out_hbm,
                     w_v, xt_v, out_v, b_v, sem_w, sem_x):
    wid = lax.axis_index("s") * NUM_CORES + lax.axis_index("c")
    base = wid * BPW
    bounds = (0, 6504, 13000, 19504, TOTAL)
    segs = [(w_hbm.at[pl.ds(bounds[q], bounds[q + 1] - bounds[q])],
             w_v.at[pl.ds(bounds[q], bounds[q + 1] - bounds[q])])
            for q in range(4)]
    for r in range(4):
        @pl.when(wid % 4 == r)
        def _(r=r):
            for k in range(4):
                src, dst = segs[(r + k) % 4]
                pltpu.async_copy(src, dst, sem_w)

    cp_x = pltpu.async_copy(xt_hbm.at[wid], xt_v, sem_x)
    pltpu.sync_copy(b_hbm, b_v)
    cp_x.wait()
    for src, dst in segs:
        pltpu.make_async_copy(src, dst, sem_w).wait()
    bias = plsc.load_gather(b_v, [jnp.zeros((LANES,), jnp.int32)])

    @plsc.parallel_loop(0, NCHUNK, unroll=2)
    def chunk(c):
        terms = []
        for f in range(N_FIELDS):
            idx = xt_v[f, pl.ds(c * LANES, LANES)] + (f * FIELD_DIM)
            terms.append(plsc.load_gather(w_v, [idx]))
        out_v[pl.ds(c * LANES, LANES)] = _tree_sum(terms) + bias

    pltpu.sync_copy(out_v, out_hbm.at[pl.ds(base, BPW)])


def kernel(x, offsets, weight, bias):
    del offsets
    xt = x.astype(jnp.int32).reshape(NW, BPW, N_FIELDS).transpose(0, 2, 1)
    out = _features_linear(xt, weight.reshape(TOTAL), bias)
    return out[:, None]

# --- scband reference (transcript-rebuilt; emitter-appended) ---
"""Pipeline reference for scband-features-linear-17368847745102 (READ-ONLY COPY).

The authoritative reference and input builder live on the scoring server;
editing this copy changes nothing except your own understanding.
"""

import jax, jax.numpy as jnp
import numpy as np

B = 16384
N_FIELDS = 26
FIELD_DIM = 1000
TOTAL_FIELD_DIMS = N_FIELDS * FIELD_DIM
OUTPUT_DIM = 1


def setup_inputs(seed: int = 0) -> dict:
    key = jax.random.key(seed)
    k_x, k_w = jax.random.split(key)
    x = jax.random.randint(k_x, (B, N_FIELDS), 0, FIELD_DIM, dtype=jnp.int64) if jax.config.jax_enable_x64 else jax.random.randint(k_x, (B, N_FIELDS), 0, FIELD_DIM, dtype=jnp.int32)
    offsets = jnp.arange(N_FIELDS, dtype=x.dtype) * FIELD_DIM
    # xavier_uniform for embedding weight of shape [TOTAL_FIELD_DIMS, OUTPUT_DIM]
    limit = float(np.sqrt(6.0 / (TOTAL_FIELD_DIMS + OUTPUT_DIM)))
    weight = jax.random.uniform(k_w, (TOTAL_FIELD_DIMS, OUTPUT_DIM), dtype=jnp.float32, minval=-limit, maxval=limit)
    bias = jnp.zeros((OUTPUT_DIM,), dtype=jnp.float32)
    return {"x": x, "offsets": offsets, "weight": weight, "bias": bias}


def reference(x, offsets, weight, bias):
    # x: int[B, N_FIELDS]; add per-field offsets, lookup, sum over fields, add bias
    idx = x + offsets[None, :]                      # [B, N_FIELDS]
    emb = jnp.take(weight, idx, axis=0)             # [B, N_FIELDS, OUTPUT_DIM] (gather)
    out = jnp.sum(emb, axis=1) + bias               # [B, OUTPUT_DIM]
    return out

if __name__ == "__main__":
    import jax
    _d = setup_inputs()
    print(jax.jit(kernel)(*tuple(_d.values())))

</pallas_src>

<mosaic_0001>
#map = affine_map<(d0, d1) -> (0, 0, 0)>
#map1 = affine_map<(d0, d1) -> (0)>
module attributes {stable_mosaic.version = 14 : i64} {
  func.func @_features_linear(%arg0: i32, %arg1: i32, %arg2: memref<32x26x512xi32, #tpu.memory_space<hbm>>, %arg3: memref<26000xf32, #tpu.memory_space<hbm>>, %arg4: memref<1xf32, #tpu.memory_space<hbm>>, %arg5: memref<16384xf32, #tpu.memory_space<hbm>>, %arg6: memref<26000xf32, #tpu.memory_space<vmem>>, %arg7: memref<26x512xi32, #tpu.memory_space<vmem>>, %arg8: memref<512xf32, #tpu.memory_space<vmem>>, %arg9: memref<1xf32, #tpu.memory_space<vmem>>, %arg10: memref<!tpu.dma_semaphore, #tpu.memory_space<semaphore_mem>>, %arg11: memref<!tpu.dma_semaphore, #tpu.memory_space<semaphore_mem>>) attributes {dimension_semantics = [#tpu.dimension_semantics<core_parallel>, #tpu.dimension_semantics<subcore_parallel>], iteration_bounds = array<i64: 2, 16>, scalar_prefetch = 0 : i64, scratch_operands = 6 : i64, tpu.core_type = #tpu.core_type<sc_vector_subcore>, window_params = [{transform_indices = #map}, {transform_indices = #map1}, {transform_indices = #map1}, {transform_indices = #map1}]} {
    %mul3A = arith.constant 2 : i32
    %mul3A_0 = arith.muli %arg1, %mul3A : i32
    %add3A = arith.addi %mul3A_0, %arg0 : i32
    %mul3A_1 = arith.constant 512 : i32
    %mul3A_2 = arith.muli %add3A, %mul3A_1 : i32
    %jit3A = arith.constant 4 : i32
    %eq3A = arith.constant 0 : i32
    %eq3A_3 = arith.cmpi eq, %jit3A, %eq3A : i32
    %jit3A_4 = arith.constant 1 : i32
    %select_n3A = arith.select %eq3A_3, %jit3A_4, %jit3A : i32
    %rem3A = arith.remsi %add3A, %select_n3A : i32
    %ne3A = arith.constant 0 : i32
    %ne3A_5 = arith.cmpi ne, %rem3A, %ne3A : i32
    %lt3A = arith.constant 0 : i32
    %lt3A_6 = arith.cmpi slt, %rem3A, %lt3A : i32
    %lt3A_7 = arith.constant 0 : i32
    %lt3A_8 = arith.cmpi slt, %select_n3A, %lt3A_7 : i32
    %ne3A_9 = arith.xori %lt3A_6, %lt3A_8 : i1
    %and3A = arith.andi %ne3A_9, %ne3A_5 : i1
    %add3A_10 = arith.addi %rem3A, %select_n3A : i32
    %select_n3A_11 = arith.select %and3A, %add3A_10, %rem3A : i32
    %eq3A_12 = arith.constant 0 : i32
    %eq3A_13 = arith.cmpi eq, %select_n3A_11, %eq3A_12 : i32
    %convert_element_type3A = arith.extui %eq3A_13 : i1 to i32
    %cond3A = arith.constant 0 : i32
    %cond3A_14 = arith.cmpi ne, %convert_element_type3A, %cond3A : i32
    scf.if %cond3A_14 {
      %dma_start3A_127 = arith.constant 0 : i32
      %dma_start3A_128 = tpu.memref_slice %arg6[%dma_start3A_127] : memref<26000xf32, #tpu.memory_space<vmem>> -> memref<6504xf32, #tpu.memory_space<vmem>>
      %dma_start3A_129 = arith.constant 0 : i32
      %dma_start3A_130 = tpu.memref_slice %arg3[%dma_start3A_129] : memref<26000xf32, #tpu.memory_space<hbm>> -> memref<6504xf32, #tpu.memory_space<hbm>>
      %dma_start3A_131 = arith.constant 0 : i32
      %dma_start3A_132 = tpu.memref_slice %arg6[%dma_start3A_131] : memref<26000xf32, #tpu.memory_space<vmem>> -> memref<6504xf32, #tpu.memory_space<vmem>>
      %dma_start3A_133 = arith.constant 0 : i32
      %dma_start3A_134 = tpu.memref_slice %arg3[%dma_start3A_133] : memref<26000xf32, #tpu.memory_space<hbm>> -> memref<6504xf32, #tpu.memory_space<hbm>>
      tpu.enqueue_dma source(%dma_start3A_134 : memref<6504xf32, #tpu.memory_space<hbm>>) target(%dma_start3A_132 : memref<6504xf32, #tpu.memory_space<vmem>>) target_semaphore(%arg10 : memref<!tpu.dma_semaphore, #tpu.memory_space<semaphore_mem>>)
      %dma_start3A_135 = arith.constant 6504 : i32
      %dma_start3A_136 = tpu.memref_slice %arg6[%dma_start3A_135] : memref<26000xf32, #tpu.memory_space<vmem>> -> memref<6496xf32, #tpu.memory_space<vmem>>
      %dma_start3A_137 = arith.constant 6504 : i32
      %dma_start3A_138 = tpu.memref_slice %arg3[%dma_start3A_137] : memref<26000xf32, #tpu.memory_space<hbm>> -> memref<6496xf32, #tpu.memory_space<hbm>>
      %dma_start3A_139 = arith.constant 6504 : i32
      %dma_start3A_140 = tpu.memref_slice %arg6[%dma_start3A_139] : memref<26000xf32, #tpu.memory_space<vmem>> -> memref<6496xf32, #tpu.memory_space<vmem>>
      %dma_start3A_141 = arith.constant 6504 : i32
      %dma_start3A_142 = tpu.memref_slice %arg3[%dma_start3A_141] : memref<26000xf32, #tpu.memory_space<hbm>> -> memref<6496xf32, #tpu.memory_space<hbm>>
      tpu.enqueue_dma source(%dma_start3A_142 : memref<6496xf32, #tpu.memory_space<hbm>>) target(%dma_start3A_140 : memref<6496xf32, #tpu.memory_space<vmem>>) target_semaphore(%arg10 : memref<!tpu.dma_semaphore, #tpu.memory_space<semaphore_mem>>)
      %dma_start3A_143 = arith.constant 13000 : i32
      %dma_start3A_144 = tpu.memref_slice %arg6[%dma_start3A_143] : memref<26000xf32, #tpu.memory_space<vmem>> -> memref<6504xf32, #tpu.memory_space<vmem>>
      %dma_start3A_145 = arith.constant 13000 : i32
      %dma_start3A_146 = tpu.memref_slice %arg3[%dma_start3A_145] : memref<26000xf32, #tpu.memory_space<hbm>> -> memref<6504xf32, #tpu.memory_space<hbm>>
      %dma_start3A_147 = arith.constant 13000 : i32
      %dma_start3A_148 = tpu.memref_slice %arg6[%dma_start3A_147] : memref<26000xf32, #tpu.memory_space<vmem>> -> memref<6504xf32, #tpu.memory_space<vmem>>
      %dma_start3A_149 = arith.constant 13000 : i32
      %dma_start3A_150 = tpu.memref_slice %arg3[%dma_start3A_149] : memref<26000xf32, #tpu.memory_space<hbm>> -> memref<6504xf32, #tpu.memory_space<hbm>>
      tpu.enqueue_dma source(%dma_start3A_150 : memref<6504xf32, #tpu.memory_space<hbm>>) target(%dma_start3A_148 : memref<6504xf32, #tpu.memory_space<vmem>>) target_semaphore(%arg10 : memref<!tpu.dma_semaphore, #tpu.memory_space<semaphore_mem>>)
      %dma_start3A_151 = arith.constant 19504 : i32
      %dma_start3A_152 = tpu.memref_slice %arg6[%dma_start3A_151] : memref<26000xf32, #tpu.memory_space<vmem>> -> memref<6496xf32, #tpu.memory_space<vmem>>
      %dma_start3A_153 = arith.constant 19504 : i32
      %dma_start3A_154 = tpu.memref_slice %arg3[%dma_start3A_153] : memref<26000xf32, #tpu.memory_space<hbm>> -> memref<6496xf32, #tpu.memory_space<hbm>>
      %dma_start3A_155 = arith.constant 19504 : i32
      %dma_start3A_156 = tpu.memref_slice %arg6[%dma_start3A_155] : memref<26000xf32, #tpu.memory_space<vmem>> -> memref<6496xf32, #tpu.memory_space<vmem>>
      %dma_start3A_157 = arith.constant 19504 : i32
      %dma_start3A_158 = tpu.memref_slice %arg3[%dma_start3A_157] : memref<26000xf32, #tpu.memory_space<hbm>> -> memref<6496xf32, #tpu.memory_space<hbm>>
      tpu.enqueue_dma source(%dma_start3A_158 : memref<6496xf32, #tpu.memory_space<hbm>>) target(%dma_start3A_156 : memref<6496xf32, #tpu.memory_space<vmem>>) target_semaphore(%arg10 : memref<!tpu.dma_semaphore, #tpu.memory_space<semaphore_mem>>)
    } else {
    }
    %jit3A_15 = arith.constant 4 : i32
    %eq3A_16 = arith.constant 0 : i32
    %eq3A_17 = arith.cmpi eq, %jit3A_15, %eq3A_16 : i32
    %jit3A_18 = arith.constant 1 : i32
    %select_n3A_19 = arith.select %eq3A_17, %jit3A_18, %jit3A_15 : i32
    %rem3A_20 = arith.remsi %add3A, %select_n3A_19 : i32
    %ne3A_21 = arith.constant 0 : i32
    %ne3A_22 = arith.cmpi ne, %rem3A_20, %ne3A_21 : i32
    %lt3A_23 = arith.constant 0 : i32
    %lt3A_24 = arith.cmpi slt, %rem3A_20, %lt3A_23 : i32
    %lt3A_25 = arith.constant 0 : i32
    %lt3A_26 = arith.cmpi slt, %select_n3A_19, %lt3A_25 : i32
    %ne3A_27 = arith.xori %lt3A_24, %lt3A_26 : i1
    %and3A_28 = arith.andi %ne3A_27, %ne3A_22 : i1
    %add3A_29 = arith.addi %rem3A_20, %select_n3A_19 : i32
    %select_n3A_30 = arith.select %and3A_28, %add3A_29, %rem3A_20 : i32
    %eq3A_31 = arith.constant 1 : i32
    %eq3A_32 = arith.cmpi eq, %select_n3A_30, %eq3A_31 : i32
    %convert_element_type3A_33 = arith.extui %eq3A_32 : i1 to i32
    %cond3A_34 = arith.constant 0 : i32
    %cond3A_35 = arith.cmpi ne, %convert_element_type3A_33, %cond3A_34 : i32
    scf.if %cond3A_35 {
      %dma_start3A_127 = arith.constant 6504 : i32
      %dma_start3A_128 = tpu.memref_slice %arg6[%dma_start3A_127] : memref<26000xf32, #tpu.memory_space<vmem>> -> memref<6496xf32, #tpu.memory_space<vmem>>
      %dma_start3A_129 = arith.constant 6504 : i32
      %dma_start3A_130 = tpu.memref_slice %arg3[%dma_start3A_129] : memref<26000xf32, #tpu.memory_space<hbm>> -> memref<6496xf32, #tpu.memory_space<hbm>>
      %dma_start3A_131 = arith.constant 6504 : i32
      %dma_start3A_132 = tpu.memref_slice %arg6[%dma_start3A_131] : memref<26000xf32, #tpu.memory_space<vmem>> -> memref<6496xf32, #tpu.memory_space<vmem>>
      %dma_start3A_133 = arith.constant 6504 : i32
      %dma_start3A_134 = tpu.memref_slice %arg3[%dma_start3A_133] : memref<26000xf32, #tpu.memory_space<hbm>> -> memref<6496xf32, #tpu.memory_space<hbm>>
      tpu.enqueue_dma source(%dma_start3A_134 : memref<6496xf32, #tpu.memory_space<hbm>>) target(%dma_start3A_132 : memref<6496xf32, #tpu.memory_space<vmem>>) target_semaphore(%arg10 : memref<!tpu.dma_semaphore, #tpu.memory_space<semaphore_mem>>)
      %dma_start3A_135 = arith.constant 13000 : i32
      %dma_start3A_136 = tpu.memref_slice %arg6[%dma_start3A_135] : memref<26000xf32, #tpu.memory_space<vmem>> -> memref<6504xf32, #tpu.memory_space<vmem>>
      %dma_start3A_137 = arith.constant 13000 : i32
      %dma_start3A_138 = tpu.memref_slice %arg3[%dma_start3A_137] : memref<26000xf32, #tpu.memory_space<hbm>> -> memref<6504xf32, #tpu.memory_space<hbm>>
      %dma_start3A_139 = arith.constant 13000 : i32
      %dma_start3A_140 = tpu.memref_slice %arg6[%dma_start3A_139] : memref<26000xf32, #tpu.memory_space<vmem>> -> memref<6504xf32, #tpu.memory_space<vmem>>
      %dma_start3A_141 = arith.constant 13000 : i32
      %dma_start3A_142 = tpu.memref_slice %arg3[%dma_start3A_141] : memref<26000xf32, #tpu.memory_space<hbm>> -> memref<6504xf32, #tpu.memory_space<hbm>>
      tpu.enqueue_dma source(%dma_start3A_142 : memref<6504xf32, #tpu.memory_space<hbm>>) target(%dma_start3A_140 : memref<6504xf32, #tpu.memory_space<vmem>>) target_semaphore(%arg10 : memref<!tpu.dma_semaphore, #tpu.memory_space<semaphore_mem>>)
      %dma_start3A_143 = arith.constant 19504 : i32
      %dma_start3A_144 = tpu.memref_slice %arg6[%dma_start3A_143] : memref<26000xf32, #tpu.memory_space<vmem>> -> memref<6496xf32, #tpu.memory_space<vmem>>
      %dma_start3A_145 = arith.constant 19504 : i32
      %dma_start3A_146 = tpu.memref_slice %arg3[%dma_start3A_145] : memref<26000xf32, #tpu.memory_space<hbm>> -> memref<6496xf32, #tpu.memory_space<hbm>>
      %dma_start3A_147 = arith.constant 19504 : i32
      %dma_start3A_148 = tpu.memref_slice %arg6[%dma_start3A_147] : memref<26000xf32, #tpu.memory_space<vmem>> -> memref<6496xf32, #tpu.memory_space<vmem>>
      %dma_start3A_149 = arith.constant 19504 : i32
      %dma_start3A_150 = tpu.memref_slice %arg3[%dma_start3A_149] : memref<26000xf32, #tpu.memory_space<hbm>> -> memref<6496xf32, #tpu.memory_space<hbm>>
      tpu.enqueue_dma source(%dma_start3A_150 : memref<6496xf32, #tpu.memory_space<hbm>>) target(%dma_start3A_148 : memref<6496xf32, #tpu.memory_space<vmem>>) target_semaphore(%arg10 : memref<!tpu.dma_semaphore, #tpu.memory_space<semaphore_mem>>)
      %dma_start3A_151 = arith.constant 0 : i32
      %dma_start3A_152 = tpu.memref_slice %arg6[%dma_start3A_151] : memref<26000xf32, #tpu.memory_space<vmem>> -> memref<6504xf32, #tpu.memory_space<vmem>>
      %dma_start3A_153 = arith.constant 0 : i32
      %dma_start3A_154 = tpu.memref_slice %arg3[%dma_start3A_153] : memref<26000xf32, #tpu.memory_space<hbm>> -> memref<6504xf32, #tpu.memory_space<hbm>>
      %dma_start3A_155 = arith.constant 0 : i32
      %dma_start3A_156 = tpu.memref_slice %arg6[%dma_start3A_155] : memref<26000xf32, #tpu.memory_space<vmem>> -> memref<6504xf32, #tpu.memory_space<vmem>>
      %dma_start3A_157 = arith.constant 0 : i32
      %dma_start3A_158 = tpu.memref_slice %arg3[%dma_start3A_157] : memref<26000xf32, #tpu.memory_space<hbm>> -> memref<6504xf32, #tpu.memory_space<hbm>>
      tpu.enqueue_dma source(%dma_start3A_158 : memref<6504xf32, #tpu.memory_space<hbm>>) target(%dma_start3A_156 : memref<6504xf32, #tpu.memory_space<vmem>>) target_semaphore(%arg10 : memref<!tpu.dma_semaphore, #tpu.memory_space<semaphore_mem>>)
    } else {
    }
    %jit3A_36 = arith.constant 4 : i32
    %eq3A_37 = arith.constant 0 : i32
    %eq3A_38 = arith.cmpi eq, %jit3A_36, %eq3A_37 : i32
    %jit3A_39 = arith.constant 1 : i32
    %select_n3A_40 = arith.select %eq3A_38, %jit3A_39, %jit3A_36 : i32
    %rem3A_41 = arith.remsi %add3A, %select_n3A_40 : i32
    %ne3A_42 = arith.constant 0 : i32
    %ne3A_43 = arith.cmpi ne, %rem3A_41, %ne3A_42 : i32
    %lt3A_44 = arith.constant 0 : i32
    %lt3A_45 = arith.cmpi slt, %rem3A_41, %lt3A_44 : i32
    %lt3A_46 = arith.constant 0 : i32
    %lt3A_47 = arith.cmpi slt, %select_n3A_40, %lt3A_46 : i32
    %ne3A_48 = arith.xori %lt3A_45, %lt3A_47 : i1
    %and3A_49 = arith.andi %ne3A_48, %ne3A_43 : i1
    %add3A_50 = arith.addi %rem3A_41, %select_n3A_40 : i32
    %select_n3A_51 = arith.select %and3A_49, %add3A_50, %rem3A_41 : i32
    %eq3A_52 = arith.constant 2 : i32
    %eq3A_53 = arith.cmpi eq, %select_n3A_51, %eq3A_52 : i32
    %convert_element_type3A_54 = arith.extui %eq3A_53 : i1 to i32
    %cond3A_55 = arith.constant 0 : i32
    %cond3A_56 = arith.cmpi ne, %convert_element_type3A_54, %cond3A_55 : i32
    scf.if %cond3A_56 {
      %dma_start3A_127 = arith.constant 13000 : i32
      %dma_start3A_128 = tpu.memref_slice %arg6[%dma_start3A_127] : memref<26000xf32, #tpu.memory_space<vmem>> -> memref<6504xf32, #tpu.memory_space<vmem>>
      %dma_start3A_129 = arith.constant 13000 : i32
      %dma_start3A_130 = tpu.memref_slice %arg3[%dma_start3A_129] : memref<26000xf32, #tpu.memory_space<hbm>> -> memref<6504xf32, #tpu.memory_space<hbm>>
      %dma_start3A_131 = arith.constant 13000 : i32
      %dma_start3A_132 = tpu.memref_slice %arg6[%dma_start3A_131] : memref<26000xf32, #tpu.memory_space<vmem>> -> memref<6504xf32, #tpu.memory_space<vmem>>
      %dma_start3A_133 = arith.constant 13000 : i32
      %dma_start3A_134 = tpu.memref_slice %arg3[%dma_start3A_133] : memref<26000xf32, #tpu.memory_space<hbm>> -> memref<6504xf32, #tpu.memory_space<hbm>>
      tpu.enqueue_dma source(%dma_start3A_134 : memref<6504xf32, #tpu.memory_space<hbm>>) target(%dma_start3A_132 : memref<6504xf32, #tpu.memory_space<vmem>>) target_semaphore(%arg10 : memref<!tpu.dma_semaphore, #tpu.memory_space<semaphore_mem>>)
      %dma_start3A_135 = arith.constant 19504 : i32
      %dma_start3A_136 = tpu.memref_slice %arg6[%dma_start3A_135] : memref<26000xf32, #tpu.memory_space<vmem>> -> memref<6496xf32, #tpu.memory_space<vmem>>
      %dma_start3A_137 = arith.constant 19504 : i32
      %dma_start3A_138 = tpu.memref_slice %arg3[%dma_start3A_137] : memref<26000xf32, #tpu.memory_space<hbm>> -> memref<6496xf32, #tpu.memory_space<hbm>>
      %dma_start3A_139 = arith.constant 19504 : i32
      %dma_start3A_140 = tpu.memref_slice %arg6[%dma_start3A_139] : memref<26000xf32, #tpu.memory_space<vmem>> -> memref<6496xf32, #tpu.memory_space<vmem>>
      %dma_start3A_141 = arith.constant 19504 : i32
      %dma_start3A_142 = tpu.memref_slice %arg3[%dma_start3A_141] : memref<26000xf32, #tpu.memory_space<hbm>> -> memref<6496xf32, #tpu.memory_space<hbm>>
      tpu.enqueue_dma source(%dma_start3A_142 : memref<6496xf32, #tpu.memory_space<hbm>>) target(%dma_start3A_140 : memref<6496xf32, #tpu.memory_space<vmem>>) target_semaphore(%arg10 : memref<!tpu.dma_semaphore, #tpu.memory_space<semaphore_mem>>)
      %dma_start3A_143 = arith.constant 0 : i32
      %dma_start3A_144 = tpu.memref_slice %arg6[%dma_start3A_143] : memref<26000xf32, #tpu.memory_space<vmem>> -> memref<6504xf32, #tpu.memory_space<vmem>>
      %dma_start3A_145 = arith.constant 0 : i32
      %dma_start3A_146 = tpu.memref_slice %arg3[%dma_start3A_145] : memref<26000xf32, #tpu.memory_space<hbm>> -> memref<6504xf32, #tpu.memory_space<hbm>>
      %dma_start3A_147 = arith.constant 0 : i32
      %dma_start3A_148 = tpu.memref_slice %arg6[%dma_start3A_147] : memref<26000xf32, #tpu.memory_space<vmem>> -> memref<6504xf32, #tpu.memory_space<vmem>>
      %dma_start3A_149 = arith.constant 0 : i32
      %dma_start3A_150 = tpu.memref_slice %arg3[%dma_start3A_149] : memref<26000xf32, #tpu.memory_space<hbm>> -> memref<6504xf32, #tpu.memory_space<hbm>>
      tpu.enqueue_dma source(%dma_start3A_150 : memref<6504xf32, #tpu.memory_space<hbm>>) target(%dma_start3A_148 : memref<6504xf32, #tpu.memory_space<vmem>>) target_semaphore(%arg10 : memref<!tpu.dma_semaphore, #tpu.memory_space<semaphore_mem>>)
      %dma_start3A_151 = arith.constant 6504 : i32
      %dma_start3A_152 = tpu.memref_slice %arg6[%dma_start3A_151] : memref<26000xf32, #tpu.memory_space<vmem>> -> memref<6496xf32, #tpu.memory_space<vmem>>
      %dma_start3A_153 = arith.constant 6504 : i32
      %dma_start3A_154 = tpu.memref_slice %arg3[%dma_start3A_153] : memref<26000xf32, #tpu.memory_space<hbm>> -> memref<6496xf32, #tpu.memory_space<hbm>>
      %dma_start3A_155 = arith.constant 6504 : i32
      %dma_start3A_156 = tpu.memref_slice %arg6[%dma_start3A_155] : memref<26000xf32, #tpu.memory_space<vmem>> -> memref<6496xf32, #tpu.memory_space<vmem>>
      %dma_start3A_157 = arith.constant 6504 : i32
      %dma_start3A_158 = tpu.memref_slice %arg3[%dma_start3A_157] : memref<26000xf32, #tpu.memory_space<hbm>> -> memref<6496xf32, #tpu.memory_space<hbm>>
      tpu.enqueue_dma source(%dma_start3A_158 : memref<6496xf32, #tpu.memory_space<hbm>>) target(%dma_start3A_156 : memref<6496xf32, #tpu.memory_space<vmem>>) target_semaphore(%arg10 : memref<!tpu.dma_semaphore, #tpu.memory_space<semaphore_mem>>)
    } else {
    }
    %jit3A_57 = arith.constant 4 : i32
    %eq3A_58 = arith.constant 0 : i32
    %eq3A_59 = arith.cmpi eq, %jit3A_57, %eq3A_58 : i32
    %jit3A_60 = arith.constant 1 : i32
    %select_n3A_61 = arith.select %eq3A_59, %jit3A_60, %jit3A_57 : i32
    %rem3A_62 = arith.remsi %add3A, %select_n3A_61 : i32
    %ne3A_63 = arith.constant 0 : i32
    %ne3A_64 = arith.cmpi ne, %rem3A_62, %ne3A_63 : i32
    %lt3A_65 = arith.constant 0 : i32
    %lt3A_66 = arith.cmpi slt, %rem3A_62, %lt3A_65 : i32
    %lt3A_67 = arith.constant 0 : i32
    %lt3A_68 = arith.cmpi slt, %select_n3A_61, %lt3A_67 : i32
    %ne3A_69 = arith.xori %lt3A_66, %lt3A_68 : i1
    %and3A_70 = arith.andi %ne3A_69, %ne3A_64 : i1
    %add3A_71 = arith.addi %rem3A_62, %select_n3A_61 : i32
    %select_n3A_72 = arith.select %and3A_70, %add3A_71, %rem3A_62 : i32
    %eq3A_73 = arith.constant 3 : i32
    %eq3A_74 = arith.cmpi eq, %select_n3A_72, %eq3A_73 : i32
    %convert_element_type3A_75 = arith.extui %eq3A_74 : i1 to i32
    %cond3A_76 = arith.constant 0 : i32
    %cond3A_77 = arith.cmpi ne, %convert_element_type3A_75, %cond3A_76 : i32
    scf.if %cond3A_77 {
      %dma_start3A_127 = arith.constant 19504 : i32
      %dma_start3A_128 = tpu.memref_slice %arg6[%dma_start3A_127] : memref<26000xf32, #tpu.memory_space<vmem>> -> memref<6496xf32, #tpu.memory_space<vmem>>
      %dma_start3A_129 = arith.constant 19504 : i32
      %dma_start3A_130 = tpu.memref_slice %arg3[%dma_start3A_129] : memref<26000xf32, #tpu.memory_space<hbm>> -> memref<6496xf32, #tpu.memory_space<hbm>>
      %dma_start3A_131 = arith.constant 19504 : i32
      %dma_start3A_132 = tpu.memref_slice %arg6[%dma_start3A_131] : memref<26000xf32, #tpu.memory_space<vmem>> -> memref<6496xf32, #tpu.memory_space<vmem>>
      %dma_start3A_133 = arith.constant 19504 : i32
      %dma_start3A_134 = tpu.memref_slice %arg3[%dma_start3A_133] : memref<26000xf32, #tpu.memory_space<hbm>> -> memref<6496xf32, #tpu.memory_space<hbm>>
      tpu.enqueue_dma source(%dma_start3A_134 : memref<6496xf32, #tpu.memory_space<hbm>>) target(%dma_start3A_132 : memref<6496xf32, #tpu.memory_space<vmem>>) target_semaphore(%arg10 : memref<!tpu.dma_semaphore, #tpu.memory_space<semaphore_mem>>)
      %dma_start3A_135 = arith.constant 0 : i32
      %dma_start3A_136 = tpu.memref_slice %arg6[%dma_start3A_135] : memref<26000xf32, #tpu.memory_space<vmem>> -> memref<6504xf32, #tpu.memory_space<vmem>>
      %dma_start3A_137 = arith.constant 0 : i32
      %dma_start3A_138 = tpu.memref_slice %arg3[%dma_start3A_137] : memref<26000xf32, #tpu.memory_space<hbm>> -> memref<6504xf32, #tpu.memory_space<hbm>>
      %dma_start3A_139 = arith.constant 0 : i32
      %dma_start3A_140 = tpu.memref_slice %arg6[%dma_start3A_139] : memref<26000xf32, #tpu.memory_space<vmem>> -> memref<6504xf32, #tpu.memory_space<vmem>>
      %dma_start3A_141 = arith.constant 0 : i32
      %dma_start3A_142 = tpu.memref_slice %arg3[%dma_start3A_141] : memref<26000xf32, #tpu.memory_space<hbm>> -> memref<6504xf32, #tpu.memory_space<hbm>>
      tpu.enqueue_dma source(%dma_start3A_142 : memref<6504xf32, #tpu.memory_space<hbm>>) target(%dma_start3A_140 : memref<6504xf32, #tpu.memory_space<vmem>>) target_semaphore(%arg10 : memref<!tpu.dma_semaphore, #tpu.memory_space<semaphore_mem>>)
      %dma_start3A_143 = arith.constant 6504 : i32
      %dma_start3A_144 = tpu.memref_slice %arg6[%dma_start3A_143] : memref<26000xf32, #tpu.memory_space<vmem>> -> memref<6496xf32, #tpu.memory_space<vmem>>
      %dma_start3A_145 = arith.constant 6504 : i32
      %dma_start3A_146 = tpu.memref_slice %arg3[%dma_start3A_145] : memref<26000xf32, #tpu.memory_space<hbm>> -> memref<6496xf32, #tpu.memory_space<hbm>>
      %dma_start3A_147 = arith.constant 6504 : i32
      %dma_start3A_148 = tpu.memref_slice %arg6[%dma_start3A_147] : memref<26000xf32, #tpu.memory_space<vmem>> -> memref<6496xf32, #tpu.memory_space<vmem>>
      %dma_start3A_149 = arith.constant 6504 : i32
      %dma_start3A_150 = tpu.memref_slice %arg3[%dma_start3A_149] : memref<26000xf32, #tpu.memory_space<hbm>> -> memref<6496xf32, #tpu.memory_space<hbm>>
      tpu.enqueue_dma source(%dma_start3A_150 : memref<6496xf32, #tpu.memory_space<hbm>>) target(%dma_start3A_148 : memref<6496xf32, #tpu.memory_space<vmem>>) target_semaphore(%arg10 : memref<!tpu.dma_semaphore, #tpu.memory_space<semaphore_mem>>)
      %dma_start3A_151 = arith.constant 13000 : i32
      %dma_start3A_152 = tpu.memref_slice %arg6[%dma_start3A_151] : memref<26000xf32, #tpu.memory_space<vmem>> -> memref<6504xf32, #tpu.memory_space<vmem>>
      %dma_start3A_153 = arith.constant 13000 : i32
      %dma_start3A_154 = tpu.memref_slice %arg3[%dma_start3A_153] : memref<26000xf32, #tpu.memory_space<hbm>> -> memref<6504xf32, #tpu.memory_space<hbm>>
      %dma_start3A_155 = arith.constant 13000 : i32
      %dma_start3A_156 = tpu.memref_slice %arg6[%dma_start3A_155] : memref<26000xf32, #tpu.memory_space<vmem>> -> memref<6504xf32, #tpu.memory_space<vmem>>
      %dma_start3A_157 = arith.constant 13000 : i32
      %dma_start3A_158 = tpu.memref_slice %arg3[%dma_start3A_157] : memref<26000xf32, #tpu.memory_space<hbm>> -> memref<6504xf32, #tpu.memory_space<hbm>>
      tpu.enqueue_dma source(%dma_start3A_158 : memref<6504xf32, #tpu.memory_space<hbm>>) target(%dma_start3A_156 : memref<6504xf32, #tpu.memory_space<vmem>>) target_semaphore(%arg10 : memref<!tpu.dma_semaphore, #tpu.memory_space<semaphore_mem>>)
    } else {
    }
    %dma_start3A = arith.constant 0 : i32
    %dma_start3A_78 = arith.constant 0 : i32
    %dma_start3A_79 = tpu.memref_slice %arg2[%add3A, %dma_start3A, %dma_start3A_78] : memref<32x26x512xi32, #tpu.memory_space<hbm>> -> memref<1x26x512xi32, #tpu.memory_space<hbm>>
    %dma_start3A_80 = tpu.memref_squeeze %dma_start3A_79 : memref<1x26x512xi32, #tpu.memory_space<hbm>> -> memref<26x512xi32, #tpu.memory_space<hbm>>
    %dma_start3A_81 = arith.constant 0 : i32
    %dma_start3A_82 = arith.constant 0 : i32
    %dma_start3A_83 = tpu.memref_slice %arg2[%add3A, %dma_start3A_81, %dma_start3A_82] : memref<32x26x512xi32, #tpu.memory_space<hbm>> -> memref<1x26x512xi32, #tpu.memory_space<hbm>>
    %dma_start3A_84 = tpu.memref_squeeze %dma_start3A_83 : memref<1x26x512xi32, #tpu.memory_space<hbm>> -> memref<26x512xi32, #tpu.memory_space<hbm>>
    tpu.enqueue_dma source(%dma_start3A_84 : memref<26x512xi32, #tpu.memory_space<hbm>>) target(%arg7 : memref<26x512xi32, #tpu.memory_space<vmem>>) target_semaphore(%arg11 : memref<!tpu.dma_semaphore, #tpu.memory_space<semaphore_mem>>)
    "tpu.region"() ({
      %run_scoped3A = tpu.sem_alloc : memref<!tpu.dma_semaphore, #tpu.memory_space<semaphore_mem>>
      tpu.enqueue_dma source(%arg4 : memref<1xf32, #tpu.memory_space<hbm>>) target(%arg9 : memref<1xf32, #tpu.memory_space<vmem>>) target_semaphore(%run_scoped3A : memref<!tpu.dma_semaphore, #tpu.memory_space<semaphore_mem>>)
      tpu.wait_dma2 semaphore(%run_scoped3A : memref<!tpu.dma_semaphore, #tpu.memory_space<semaphore_mem>>) src(%arg4 : memref<1xf32, #tpu.memory_space<hbm>>) dst(%arg9 : memref<1xf32, #tpu.memory_space<vmem>>)
      tpu.yield
    }) : () -> ()
    %dma_wait3A = arith.constant 0 : i32
    %dma_wait3A_85 = arith.constant 0 : i32
    %dma_wait3A_86 = tpu.memref_slice %arg2[%add3A, %dma_wait3A, %dma_wait3A_85] : memref<32x26x512xi32, #tpu.memory_space<hbm>> -> memref<1x26x512xi32, #tpu.memory_space<hbm>>
    %dma_wait3A_87 = tpu.memref_squeeze %dma_wait3A_86 : memref<1x26x512xi32, #tpu.memory_space<hbm>> -> memref<26x512xi32, #tpu.memory_space<hbm>>
    %dma_wait3A_88 = arith.constant 0 : i32
    %dma_wait3A_89 = arith.constant 0 : i32
    %dma_wait3A_90 = tpu.memref_slice %arg2[%add3A, %dma_wait3A_88, %dma_wait3A_89] : memref<32x26x512xi32, #tpu.memory_space<hbm>> -> memref<1x26x512xi32, #tpu.memory_space<hbm>>
    %dma_wait3A_91 = tpu.memref_squeeze %dma_wait3A_90 : memref<1x26x512xi32, #tpu.memory_space<hbm>> -> memref<26x512xi32, #tpu.memory_space<hbm>>
    tpu.wait_dma2 semaphore(%arg11 : memref<!tpu.dma_semaphore, #tpu.memory_space<semaphore_mem>>) src(%dma_wait3A_91 : memref<26x512xi32, #tpu.memory_space<hbm>>) dst(%arg7 : memref<26x512xi32, #tpu.memory_space<vmem>>)
    %dma_wait3A_92 = arith.constant 0 : i32
    %dma_wait3A_93 = tpu.memref_slice %arg6[%dma_wait3A_92] : memref<26000xf32, #tpu.memory_space<vmem>> -> memref<6504xf32, #tpu.memory_space<vmem>>
    %dma_wait3A_94 = arith.constant 0 : i32
    %dma_wait3A_95 = tpu.memref_slice %arg3[%dma_wait3A_94] : memref<26000xf32, #tpu.memory_space<hbm>> -> memref<6504xf32, #tpu.memory_space<hbm>>
    %dma_wait3A_96 = arith.constant 0 : i32
    %dma_wait3A_97 = tpu.memref_slice %arg6[%dma_wait3A_96] : memref<26000xf32, #tpu.memory_space<vmem>> -> memref<6504xf32, #tpu.memory_space<vmem>>
    %dma_wait3A_98 = arith.constant 0 : i32
    %dma_wait3A_99 = tpu.memref_slice %arg3[%dma_wait3A_98] : memref<26000xf32, #tpu.memory_space<hbm>> -> memref<6504xf32, #tpu.memory_space<hbm>>
    tpu.wait_dma2 semaphore(%arg10 : memref<!tpu.dma_semaphore, #tpu.memory_space<semaphore_mem>>) src(%dma_wait3A_99 : memref<6504xf32, #tpu.memory_space<hbm>>) dst(%dma_wait3A_97 : memref<6504xf32, #tpu.memory_space<vmem>>)
    %dma_wait3A_100 = arith.constant 6504 : i32
    %dma_wait3A_101 = tpu.memref_slice %arg6[%dma_wait3A_100] : memref<26000xf32, #tpu.memory_space<vmem>> -> memref<6496xf32, #tpu.memory_space<vmem>>
    %dma_wait3A_102 = arith.constant 6504 : i32
    %dma_wait3A_103 = tpu.memref_slice %arg3[%dma_wait3A_102] : memref<26000xf32, #tpu.memory_space<hbm>> -> memref<6496xf32, #tpu.memory_space<hbm>>
    %dma_wait3A_104 = arith.constant 6504 : i32
    %dma_wait3A_105 = tpu.memref_slice %arg6[%dma_wait3A_104] : memref<26000xf32, #tpu.memory_space<vmem>> -> memref<6496xf32, #tpu.memory_space<vmem>>
    %dma_wait3A_106 = arith.constant 6504 : i32
    %dma_wait3A_107 = tpu.memref_slice %arg3[%dma_wait3A_106] : memref<26000xf32, #tpu.memory_space<hbm>> -> memref<6496xf32, #tpu.memory_space<hbm>>
    tpu.wait_dma2 semaphore(%arg10 : memref<!tpu.dma_semaphore, #tpu.memory_space<semaphore_mem>>) src(%dma_wait3A_107 : memref<6496xf32, #tpu.memory_space<hbm>>) dst(%dma_wait3A_105 : memref<6496xf32, #tpu.memory_space<vmem>>)
    %dma_wait3A_108 = arith.constant 13000 : i32
    %dma_wait3A_109 = tpu.memref_slice %arg6[%dma_wait3A_108] : memref<26000xf32, #tpu.memory_space<vmem>> -> memref<6504xf32, #tpu.memory_space<vmem>>
    %dma_wait3A_110 = arith.constant 13000 : i32
    %dma_wait3A_111 = tpu.memref_slice %arg3[%dma_wait3A_110] : memref<26000xf32, #tpu.memory_space<hbm>> -> memref<6504xf32, #tpu.memory_space<hbm>>
    %dma_wait3A_112 = arith.constant 13000 : i32
    %dma_wait3A_113 = tpu.memref_slice %arg6[%dma_wait3A_112] : memref<26000xf32, #tpu.memory_space<vmem>> -> memref<6504xf32, #tpu.memory_space<vmem>>
    %dma_wait3A_114 = arith.constant 13000 : i32
    %dma_wait3A_115 = tpu.memref_slice %arg3[%dma_wait3A_114] : memref<26000xf32, #tpu.memory_space<hbm>> -> memref<6504xf32, #tpu.memory_space<hbm>>
    tpu.wait_dma2 semaphore(%arg10 : memref<!tpu.dma_semaphore, #tpu.memory_space<semaphore_mem>>) src(%dma_wait3A_115 : memref<6504xf32, #tpu.memory_space<hbm>>) dst(%dma_wait3A_113 : memref<6504xf32, #tpu.memory_space<vmem>>)
    %dma_wait3A_116 = arith.constant 19504 : i32
    %dma_wait3A_117 = tpu.memref_slice %arg6[%dma_wait3A_116] : memref<26000xf32, #tpu.memory_space<vmem>> -> memref<6496xf32, #tpu.memory_space<vmem>>
    %dma_wait3A_118 = arith.constant 19504 : i32
    %dma_wait3A_119 = tpu.memref_slice %arg3[%dma_wait3A_118] : memref<26000xf32, #tpu.memory_space<hbm>> -> memref<6496xf32, #tpu.memory_space<hbm>>
    %dma_wait3A_120 = arith.constant 19504 : i32
    %dma_wait3A_121 = tpu.memref_slice %arg6[%dma_wait3A_120] : memref<26000xf32, #tpu.memory_space<vmem>> -> memref<6496xf32, #tpu.memory_space<vmem>>
    %dma_wait3A_122 = arith.constant 19504 : i32
    %dma_wait3A_123 = tpu.memref_slice %arg3[%dma_wait3A_122] : memref<26000xf32, #tpu.memory_space<hbm>> -> memref<6496xf32, #tpu.memory_space<hbm>>
    tpu.wait_dma2 semaphore(%arg10 : memref<!tpu.dma_semaphore, #tpu.memory_space<semaphore_mem>>) src(%dma_wait3A_123 : memref<6496xf32, #tpu.memory_space<hbm>>) dst(%dma_wait3A_121 : memref<6496xf32, #tpu.memory_space<vmem>>)
    %broadcast_in_dim3A = arith.constant 0 : i32
    %broadcast_in_dim3A_124 = vector.broadcast %broadcast_in_dim3A : i32 to vector<16xi32>
    %gather3A = tpu.vector_load_idx %arg9[%broadcast_in_dim3A_124] : memref<1xf32, #tpu.memory_space<vmem>>[vector<16xi32>], vector<16xf32>,
    %parallel_loop3A = arith.constant 0 : i32
    %parallel_loop3A_125 = arith.constant 32 : i32
    %parallel_loop3A_126 = arith.constant 1 : i32
    scf.for %parallel_loop3A_127 = %parallel_loop3A to %parallel_loop3A_125 step %parallel_loop3A_126  : i32 {
      %parallel_loop3A_128 = arith.constant 16 : i32
      %parallel_loop3A_129 = arith.muli %parallel_loop3A_127, %parallel_loop3A_128 : i32
      %parallel_loop3A_130 = arith.constant 0 : i32
      %parallel_loop3A_131 = arith.index_cast %parallel_loop3A_130 : i32 to index
      %parallel_loop3A_132 = arith.index_cast %parallel_loop3A_129 : i32 to index
      %parallel_loop3A_133 = tpu.vector_load %arg7[%parallel_loop3A_131, %parallel_loop3A_132] {strides = array<i32>} : memref<26x512xi32, #tpu.memory_space<vmem>>, vector<16xi32>,
      %parallel_loop3A_134 = arith.constant 0 : i32
      %parallel_loop3A_135 = vector.broadcast %parallel_loop3A_134 : i32 to vector<16xi32>
      %parallel_loop3A_136 = arith.addi %parallel_loop3A_133, %parallel_loop3A_135 : vector<16xi32>
      %parallel_loop3A_137 = tpu.vector_load_idx %arg6[%parallel_loop3A_136] : memref<26000xf32, #tpu.memory_space<vmem>>[vector<16xi32>], vector<16xf32>,
      %parallel_loop3A_138 = arith.constant 16 : i32
      %parallel_loop3A_139 = arith.muli %parallel_loop3A_127, %parallel_loop3A_138 : i32
      %parallel_loop3A_140 = arith.constant 1 : i32
      %parallel_loop3A_141 = arith.index_cast %parallel_loop3A_140 : i32 to index
      %parallel_loop3A_142 = arith.index_cast %parallel_loop3A_139 : i32 to index
      %parallel_loop3A_143 = tpu.vector_load %arg7[%parallel_loop3A_141, %parallel_loop3A_142] {strides = array<i32>} : memref<26x512xi32, #tpu.memory_space<vmem>>, vector<16xi32>,
      %parallel_loop3A_144 = arith.constant 1000 : i32
      %parallel_loop3A_145 = vector.broadcast %parallel_loop3A_144 : i32 to vector<16xi32>
      %parallel_loop3A_146 = arith.addi %parallel_loop3A_143, %parallel_loop3A_145 : vector<16xi32>
      %parallel_loop3A_147 = tpu.vector_load_idx %arg6[%parallel_loop3A_146] : memref<26000xf32, #tpu.memory_space<vmem>>[vector<16xi32>], vector<16xf32>,
      %parallel_loop3A_148 = arith.constant 16 : i32
      %parallel_loop3A_149 = arith.muli %parallel_loop3A_127, %parallel_loop3A_148 : i32
      %parallel_loop3A_150 = arith.constant 2 : i32
      %parallel_loop3A_151 = arith.index_cast %parallel_loop3A_150 : i32 to index
      %parallel_loop3A_152 = arith.index_cast %parallel_loop3A_149 : i32 to index
      %parallel_loop3A_153 = tpu.vector_load %arg7[%parallel_loop3A_151, %parallel_loop3A_152] {strides = array<i32>} : memref<26x512xi32, #tpu.memory_space<vmem>>, vector<16xi32>,
      %parallel_loop3A_154 = arith.constant 2000 : i32
      %parallel_loop3A_155 = vector.broadcast %parallel_loop3A_154 : i32 to vector<16xi32>
      %parallel_loop3A_156 = arith.addi %parallel_loop3A_153, %parallel_loop3A_155 : vector<16xi32>
      %parallel_loop3A_157 = tpu.vector_load_idx %arg6[%parallel_loop3A_156] : memref<26000xf32, #tpu.memory_space<vmem>>[vector<16xi32>], vector<16xf32>,
      %parallel_loop3A_158 = arith.constant 16 : i32
      %parallel_loop3A_159 = arith.muli %parallel_loop3A_127, %parallel_loop3A_158 : i32
      %parallel_loop3A_160 = arith.constant 3 : i32
      %parallel_loop3A_161 = arith.index_cast %parallel_loop3A_160 : i32 to index
      %parallel_loop3A_162 = arith.index_cast %parallel_loop3A_159 : i32 to index
      %parallel_loop3A_163 = tpu.vector_load %arg7[%parallel_loop3A_161, %parallel_loop3A_162] {strides = array<i32>} : memref<26x512xi32, #tpu.memory_space<vmem>>, vector<16xi32>,
      %parallel_loop3A_164 = arith.constant 3000 : i32
      %parallel_loop3A_165 = vector.broadcast %parallel_loop3A_164 : i32 to vector<16xi32>
      %parallel_loop3A_166 = arith.addi %parallel_loop3A_163, %parallel_loop3A_165 : vector<16xi32>
      %parallel_loop3A_167 = tpu.vector_load_idx %arg6[%parallel_loop3A_166] : memref<26000xf32, #tpu.memory_space<vmem>>[vector<16xi32>], vector<16xf32>,
      %parallel_loop3A_168 = arith.constant 16 : i32
      %parallel_loop3A_169 = arith.muli %parallel_loop3A_127, %parallel_loop3A_168 : i32
      %parallel_loop3A_170 = arith.constant 4 : i32
      %parallel_loop3A_171 = arith.index_cast %parallel_loop3A_170 : i32 to index
      %parallel_loop3A_172 = arith.index_cast %parallel_loop3A_169 : i32 to index
      %parallel_loop3A_173 = tpu.vector_load %arg7[%parallel_loop3A_171, %parallel_loop3A_172] {strides = array<i32>} : memref<26x512xi32, #tpu.memory_space<vmem>>, vector<16xi32>,
      %parallel_loop3A_174 = arith.constant 4000 : i32
      %parallel_loop3A_175 = vector.broadcast %parallel_loop3A_174 : i32 to vector<16xi32>
      %parallel_loop3A_176 = arith.addi %parallel_loop3A_173, %parallel_loop3A_175 : vector<16xi32>
      %parallel_loop3A_177 = tpu.vector_load_idx %arg6[%parallel_loop3A_176] : memref<26000xf32, #tpu.memory_space<vmem>>[vector<16xi32>], vector<16xf32>,
      %parallel_loop3A_178 = arith.constant 16 : i32
      %parallel_loop3A_179 = arith.muli %parallel_loop3A_127, %parallel_loop3A_178 : i32
      %parallel_loop3A_180 = arith.constant 5 : i32
      %parallel_loop3A_181 = arith.index_cast %parallel_loop3A_180 : i32 to index
      %parallel_loop3A_182 = arith.index_cast %parallel_loop3A_179 : i32 to index
      %parallel_loop3A_183 = tpu.vector_load %arg7[%parallel_loop3A_181, %parallel_loop3A_182] {strides = array<i32>} : memref<26x512xi32, #tpu.memory_space<vmem>>, vector<16xi32>,
      %parallel_loop3A_184 = arith.constant 5000 : i32
      %parallel_loop3A_185 = vector.broadcast %parallel_loop3A_184 : i32 to vector<16xi32>
      %parallel_loop3A_186 = arith.addi %parallel_loop3A_183, %parallel_loop3A_185 : vector<16xi32>
      %parallel_loop3A_187 = tpu.vector_load_idx %arg6[%parallel_loop3A_186] : memref<26000xf32, #tpu.memory_space<vmem>>[vector<16xi32>], vector<16xf32>,
      %parallel_loop3A_188 = arith.constant 16 : i32
      %parallel_loop3A_189 = arith.muli %parallel_loop3A_127, %parallel_loop3A_188 : i32
      %parallel_loop3A_190 = arith.constant 6 : i32
      %parallel_loop3A_191 = arith.index_cast %parallel_loop3A_190 : i32 to index
      %parallel_loop3A_192 = arith.index_cast %parallel_loop3A_189 : i32 to index
      %parallel_loop3A_193 = tpu.vector_load %arg7[%parallel_loop3A_191, %parallel_loop3A_192] {strides = array<i32>} : memref<26x512xi32, #tpu.memory_space<vmem>>, vector<16xi32>,
      %parallel_loop3A_194 = arith.constant 6000 : i32
      %parallel_loop3A_195 = vector.broadcast %parallel_loop3A_194 : i32 to vector<16xi32>
      %parallel_loop3A_196 = arith.addi %parallel_loop3A_193, %parallel_loop3A_195 : vector<16xi32>
      %parallel_loop3A_197 = tpu.vector_load_idx %arg6[%parallel_loop3A_196] : memref<26000xf32, #tpu.memory_space<vmem>>[vector<16xi32>], vector<16xf32>,
      %parallel_loop3A_198 = arith.constant 16 : i32
      %parallel_loop3A_199 = arith.muli %parallel_loop3A_127, %parallel_loop3A_198 : i32
      %parallel_loop3A_200 = arith.constant 7 : i32
      %parallel_loop3A_201 = arith.index_cast %parallel_loop3A_200 : i32 to index
      %parallel_loop3A_202 = arith.index_cast %parallel_loop3A_199 : i32 to index
      %parallel_loop3A_203 = tpu.vector_load %arg7[%parallel_loop3A_201, %parallel_loop3A_202] {strides = array<i32>} : memref<26x512xi32, #tpu.memory_space<vmem>>, vector<16xi32>,
      %parallel_loop3A_204 = arith.constant 7000 : i32
      %parallel_loop3A_205 = vector.broadcast %parallel_loop3A_204 : i32 to vector<16xi32>
      %parallel_loop3A_206 = arith.addi %parallel_loop3A_203, %parallel_loop3A_205 : vector<16xi32>
      %parallel_loop3A_207 = tpu.vector_load_idx %arg6[%parallel_loop3A_206] : memref<26000xf32, #tpu.memory_space<vmem>>[vector<16xi32>], vector<16xf32>,
      %parallel_loop3A_208 = arith.constant 16 : i32
      %parallel_loop3A_209 = arith.muli %parallel_loop3A_127, %parallel_loop3A_208 : i32
      %parallel_loop3A_210 = arith.constant 8 : i32
      %parallel_loop3A_211 = arith.index_cast %parallel_loop3A_210 : i32 to index
      %parallel_loop3A_212 = arith.index_cast %parallel_loop3A_209 : i32 to index
      %parallel_loop3A_213 = tpu.vector_load %arg7[%parallel_loop3A_211, %parallel_loop3A_212] {strides = array<i32>} : memref<26x512xi32, #tpu.memory_space<vmem>>, vector<16xi32>,
      %parallel_loop3A_214 = arith.constant 8000 : i32
      %parallel_loop3A_215 = vector.broadcast %parallel_loop3A_214 : i32 to vector<16xi32>
      %parallel_loop3A_216 = arith.addi %parallel_loop3A_213, %parallel_loop3A_215 : vector<16xi32>
      %parallel_loop3A_217 = tpu.vector_load_idx %arg6[%parallel_loop3A_216] : memref<26000xf32, #tpu.memory_space<vmem>>[vector<16xi32>], vector<16xf32>,
      %parallel_loop3A_218 = arith.constant 16 : i32
      %parallel_loop3A_219 = arith.muli %parallel_loop3A_127, %parallel_loop3A_218 : i32
      %parallel_loop3A_220 = arith.constant 9 : i32
      %parallel_loop3A_221 = arith.index_cast %parallel_loop3A_220 : i32 to index
      %parallel_loop3A_222 = arith.index_cast %parallel_loop3A_219 : i32 to index
      %parallel_loop3A_223 = tpu.vector_load %arg7[%parallel_loop3A_221, %parallel_loop3A_222] {strides = array<i32>} : memref<26x512xi32, #tpu.memory_space<vmem>>, vector<16xi32>,
      %parallel_loop3A_224 = arith.constant 9000 : i32
      %parallel_loop3A_225 = vector.broadcast %parallel_loop3A_224 : i32 to vector<16xi32>
      %parallel_loop3A_226 = arith.addi %parallel_loop3A_223, %parallel_loop3A_225 : vector<16xi32>
      %parallel_loop3A_227 = tpu.vector_load_idx %arg6[%parallel_loop3A_226] : memref<26000xf32, #tpu.memory_space<vmem>>[vector<16xi32>], vector<16xf32>,
      %parallel_loop3A_228 = arith.constant 16 : i32
      %parallel_loop3A_229 = arith.muli %parallel_loop3A_127, %parallel_loop3A_228 : i32
      %parallel_loop3A_230 = arith.constant 10 : i32
      %parallel_loop3A_231 = arith.index_cast %parallel_loop3A_230 : i32 to index
      %parallel_loop3A_232 = arith.index_cast %parallel_loop3A_229 : i32 to index
      %parallel_loop3A_233 = tpu.vector_load %arg7[%parallel_loop3A_231, %parallel_loop3A_232] {strides = array<i32>} : memref<26x512xi32, #tpu.memory_space<vmem>>, vector<16xi32>,
      %parallel_loop3A_234 = arith.constant 10000 : i32
      %parallel_loop3A_235 = vector.broadcast %parallel_loop3A_234 : i32 to vector<16xi32>
      %parallel_loop3A_236 = arith.addi %parallel_loop3A_233, %parallel_loop3A_235 : vector<16xi32>
      %parallel_loop3A_237 = tpu.vector_load_idx %arg6[%parallel_loop3A_236] : memref<26000xf32, #tpu.memory_space<vmem>>[vector<16xi32>], vector<16xf32>,
      %parallel_loop3A_238 = arith.constant 16 : i32
      %parallel_loop3A_239 = arith.muli %parallel_loop3A_127, %parallel_loop3A_238 : i32
      %parallel_loop3A_240 = arith.constant 11 : i32
      %parallel_loop3A_241 = arith.index_cast %parallel_loop3A_240 : i32 to index
      %parallel_loop3A_242 = arith.index_cast %parallel_loop3A_239 : i32 to index
      %parallel_loop3A_243 = tpu.vector_load %arg7[%parallel_loop3A_241, %parallel_loop3A_242] {strides = array<i32>} : memref<26x512xi32, #tpu.memory_space<vmem>>, vector<16xi32>,
      %parallel_loop3A_244 = arith.constant 11000 : i32
      %parallel_loop3A_245 = vector.broadcast %parallel_loop3A_244 : i32 to vector<16xi32>
      %parallel_loop3A_246 = arith.addi %parallel_loop3A_243, %parallel_loop3A_245 : vector<16xi32>
      %parallel_loop3A_247 = tpu.vector_load_idx %arg6[%parallel_loop3A_246] : memref<26000xf32, #tpu.memory_space<vmem>>[vector<16xi32>], vector<16xf32>,
      %parallel_loop3A_248 = arith.constant 16 : i32
      %parallel_loop3A_249 = arith.muli %parallel_loop3A_127, %parallel_loop3A_248 : i32
      %parallel_loop3A_250 = arith.constant 12 : i32
      %parallel_loop3A_251 = arith.index_cast %parallel_loop3A_250 : i32 to index
      %parallel_loop3A_252 = arith.index_cast %parallel_loop3A_249 : i32 to index
      %parallel_loop3A_253 = tpu.vector_load %arg7[%parallel_loop3A_251, %parallel_loop3A_252] {strides = array<i32>} : memref<26x512xi32, #tpu.memory_space<vmem>>, vector<16xi32>,
      %parallel_loop3A_254 = arith.constant 12000 : i32
      %parallel_loop3A_255 = vector.broadcast %parallel_loop3A_254 : i32 to vector<16xi32>
      %parallel_loop3A_256 = arith.addi %parallel_loop3A_253, %parallel_loop3A_255 : vector<16xi32>
      %parallel_loop3A_257 = tpu.vector_load_idx %arg6[%parallel_loop3A_256] : memref<26000xf32, #tpu.memory_space<vmem>>[vector<16xi32>], vector<16xf32>,
      %parallel_loop3A_258 = arith.constant 16 : i32
      %parallel_loop3A_259 = arith.muli %parallel_loop3A_127, %parallel_loop3A_258 : i32
      %parallel_loop3A_260 = arith.constant 13 : i32
      %parallel_loop3A_261 = arith.index_cast %parallel_loop3A_260 : i32 to index
      %parallel_loop3A_262 = arith.index_cast %parallel_loop3A_259 : i32 to index
      %parallel_loop3A_263 = tpu.vector_load %arg7[%parallel_loop3A_261, %parallel_loop3A_262] {strides = array<i32>} : memref<26x512xi32, #tpu.memory_space<vmem>>, vector<16xi32>,
      %parallel_loop3A_264 = arith.constant 13000 : i32
      %parallel_loop3A_265 = vector.broadcast %parallel_loop3A_264 : i32 to vector<16xi32>
      %parallel_loop3A_266 = arith.addi %parallel_loop3A_263, %parallel_loop3A_265 : vector<16xi32>
      %parallel_loop3A_267 = tpu.vector_load_idx %arg6[%parallel_loop3A_266] : memref<26000xf32, #tpu.memory_space<vmem>>[vector<16xi32>], vector<16xf32>,
      %parallel_loop3A_268 = arith.constant 16 : i32
      %parallel_loop3A_269 = arith.muli %parallel_loop3A_127, %parallel_loop3A_268 : i32
      %parallel_loop3A_270 = arith.constant 14 : i32
      %parallel_loop3A_271 = arith.index_cast %parallel_loop3A_270 : i32 to index
      %parallel_loop3A_272 = arith.index_cast %parallel_loop3A_269 : i32 to index
      %parallel_loop3A_273 = tpu.vector_load %arg7[%parallel_loop3A_271, %parallel_loop3A_272] {strides = array<i32>} : memref<26x512xi32, #tpu.memory_space<vmem>>, vector<16xi32>,
      %parallel_loop3A_274 = arith.constant 14000 : i32
      %parallel_loop3A_275 = vector.broadcast %parallel_loop3A_274 : i32 to vector<16xi32>
      %parallel_loop3A_276 = arith.addi %parallel_loop3A_273, %parallel_loop3A_275 : vector<16xi32>
      %parallel_loop3A_277 = tpu.vector_load_idx %arg6[%parallel_loop3A_276] : memref<26000xf32, #tpu.memory_space<vmem>>[vector<16xi32>], vector<16xf32>,
      %parallel_loop3A_278 = arith.constant 16 : i32
      %parallel_loop3A_279 = arith.muli %parallel_loop3A_127, %parallel_loop3A_278 : i32
      %parallel_loop3A_280 = arith.constant 15 : i32
      %parallel_loop3A_281 = arith.index_cast %parallel_loop3A_280 : i32 to index
      %parallel_loop3A_282 = arith.index_cast %parallel_loop3A_279 : i32 to index
      %parallel_loop3A_283 = tpu.vector_load %arg7[%parallel_loop3A_281, %parallel_loop3A_282] {strides = array<i32>} : memref<26x512xi32, #tpu.memory_space<vmem>>, vector<16xi32>,
      %parallel_loop3A_284 = arith.constant 15000 : i32
      %parallel_loop3A_285 = vector.broadcast %parallel_loop3A_284 : i32 to vector<16xi32>
      %parallel_loop3A_286 = arith.addi %parallel_loop3A_283, %parallel_loop3A_285 : vector<16xi32>
      %parallel_loop3A_287 = tpu.vector_load_idx %arg6[%parallel_loop3A_286] : memref<26000xf32, #tpu.memory_space<vmem>>[vector<16xi32>], vector<16xf32>,
      %parallel_loop3A_288 = arith.constant 16 : i32
      %parallel_loop3A_289 = arith.muli %parallel_loop3A_127, %parallel_loop3A_288 : i32
      %parallel_loop3A_290 = arith.constant 16 : i32
      %parallel_loop3A_291 = arith.index_cast %parallel_loop3A_290 : i32 to index
      %parallel_loop3A_292 = arith.index_cast %parallel_loop3A_289 : i32 to index
      %parallel_loop3A_293 = tpu.vector_load %arg7[%parallel_loop3A_291, %parallel_loop3A_292] {strides = array<i32>} : memref<26x512xi32, #tpu.memory_space<vmem>>, vector<16xi32>,
      %parallel_loop3A_294 = arith.constant 16000 : i32
      %parallel_loop3A_295 = vector.broadcast %parallel_loop3A_294 : i32 to vector<16xi32>
      %parallel_loop3A_296 = arith.addi %parallel_loop3A_293, %parallel_loop3A_295 : vector<16xi32>
      %parallel_loop3A_297 = tpu.vector_load_idx %arg6[%parallel_loop3A_296] : memref<26000xf32, #tpu.memory_space<vmem>>[vector<16xi32>], vector<16xf32>,
      %parallel_loop3A_298 = arith.constant 16 : i32
      %parallel_loop3A_299 = arith.muli %parallel_loop3A_127, %parallel_loop3A_298 : i32
      %parallel_loop3A_300 = arith.constant 17 : i32
      %parallel_loop3A_301 = arith.index_cast %parallel_loop3A_300 : i32 to index
      %parallel_loop3A_302 = arith.index_cast %parallel_loop3A_299 : i32 to index
      %parallel_loop3A_303 = tpu.vector_load %arg7[%parallel_loop3A_301, %parallel_loop3A_302] {strides = array<i32>} : memref<26x512xi32, #tpu.memory_space<vmem>>, vector<16xi32>,
      %parallel_loop3A_304 = arith.constant 17000 : i32
      %parallel_loop3A_305 = vector.broadcast %parallel_loop3A_304 : i32 to vector<16xi32>
      %parallel_loop3A_306 = arith.addi %parallel_loop3A_303, %parallel_loop3A_305 : vector<16xi32>
      %parallel_loop3A_307 = tpu.vector_load_idx %arg6[%parallel_loop3A_306] : memref<26000xf32, #tpu.memory_space<vmem>>[vector<16xi32>], vector<16xf32>,
      %parallel_loop3A_308 = arith.constant 16 : i32
      %parallel_loop3A_309 = arith.muli %parallel_loop3A_127, %parallel_loop3A_308 : i32
      %parallel_loop3A_310 = arith.constant 18 : i32
      %parallel_loop3A_311 = arith.index_cast %parallel_loop3A_310 : i32 to index
      %parallel_loop3A_312 = arith.index_cast %parallel_loop3A_309 : i32 to index
      %parallel_loop3A_313 = tpu.vector_load %arg7[%parallel_loop3A_311, %parallel_loop3A_312] {strides = array<i32>} : memref<26x512xi32, #tpu.memory_space<vmem>>, vector<16xi32>,
      %parallel_loop3A_314 = arith.constant 18000 : i32
      %parallel_loop3A_315 = vector.broadcast %parallel_loop3A_314 : i32 to vector<16xi32>
      %parallel_loop3A_316 = arith.addi %parallel_loop3A_313, %parallel_loop3A_315 : vector<16xi32>
      %parallel_loop3A_317 = tpu.vector_load_idx %arg6[%parallel_loop3A_316] : memref<26000xf32, #tpu.memory_space<vmem>>[vector<16xi32>], vector<16xf32>,
      %parallel_loop3A_318 = arith.constant 16 : i32
      %parallel_loop3A_319 = arith.muli %parallel_loop3A_127, %parallel_loop3A_318 : i32
      %parallel_loop3A_320 = arith.constant 19 : i32
      %parallel_loop3A_321 = arith.index_cast %parallel_loop3A_320 : i32 to index
      %parallel_loop3A_322 = arith.index_cast %parallel_loop3A_319 : i32 to index
      %parallel_loop3A_323 = tpu.vector_load %arg7[%parallel_loop3A_321, %parallel_loop3A_322] {strides = array<i32>} : memref<26x512xi32, #tpu.memory_space<vmem>>, vector<16xi32>,
      %parallel_loop3A_324 = arith.constant 19000 : i32
      %parallel_loop3A_325 = vector.broadcast %parallel_loop3A_324 : i32 to vector<16xi32>
      %parallel_loop3A_326 = arith.addi %parallel_loop3A_323, %parallel_loop3A_325 : vector<16xi32>
      %parallel_loop3A_327 = tpu.vector_load_idx %arg6[%parallel_loop3A_326] : memref<26000xf32, #tpu.memory_space<vmem>>[vector<16xi32>], vector<16xf32>,
      %parallel_loop3A_328 = arith.constant 16 : i32
      %parallel_loop3A_329 = arith.muli %parallel_loop3A_127, %parallel_loop3A_328 : i32
      %parallel_loop3A_330 = arith.constant 20 : i32
      %parallel_loop3A_331 = arith.index_cast %parallel_loop3A_330 : i32 to index
      %parallel_loop3A_332 = arith.index_cast %parallel_loop3A_329 : i32 to index
      %parallel_loop3A_333 = tpu.vector_load %arg7[%parallel_loop3A_331, %parallel_loop3A_332] {strides = array<i32>} : memref<26x512xi32, #tpu.memory_space<vmem>>, vector<16xi32>,
      %parallel_loop3A_334 = arith.constant 20000 : i32
      %parallel_loop3A_335 = vector.broadcast %parallel_loop3A_334 : i32 to vector<16xi32>
      %parallel_loop3A_336 = arith.addi %parallel_loop3A_333, %parallel_loop3A_335 : vector<16xi32>
      %parallel_loop3A_337 = tpu.vector_load_idx %arg6[%parallel_loop3A_336] : memref<26000xf32, #tpu.memory_space<vmem>>[vector<16xi32>], vector<16xf32>,
      %parallel_loop3A_338 = arith.constant 16 : i32
      %parallel_loop3A_339 = arith.muli %parallel_loop3A_127, %parallel_loop3A_338 : i32
      %parallel_loop3A_340 = arith.constant 21 : i32
      %parallel_loop3A_341 = arith.index_cast %parallel_loop3A_340 : i32 to index
      %parallel_loop3A_342 = arith.index_cast %parallel_loop3A_339 : i32 to index
      %parallel_loop3A_343 = tpu.vector_load %arg7[%parallel_loop3A_341, %parallel_loop3A_342] {strides = array<i32>} : memref<26x512xi32, #tpu.memory_space<vmem>>, vector<16xi32>,
      %parallel_loop3A_344 = arith.constant 21000 : i32
      %parallel_loop3A_345 = vector.broadcast %parallel_loop3A_344 : i32 to vector<16xi32>
      %parallel_loop3A_346 = arith.addi %parallel_loop3A_343, %parallel_loop3A_345 : vector<16xi32>
      %parallel_loop3A_347 = tpu.vector_load_idx %arg6[%parallel_loop3A_346] : memref<26000xf32, #tpu.memory_space<vmem>>[vector<16xi32>], vector<16xf32>,
      %parallel_loop3A_348 = arith.constant 16 : i32
      %parallel_loop3A_349 = arith.muli %parallel_loop3A_127, %parallel_loop3A_348 : i32
      %parallel_loop3A_350 = arith.constant 22 : i32
      %parallel_loop3A_351 = arith.index_cast %parallel_loop3A_350 : i32 to index
      %parallel_loop3A_352 = arith.index_cast %parallel_loop3A_349 : i32 to index
      %parallel_loop3A_353 = tpu.vector_load %arg7[%parallel_loop3A_351, %parallel_loop3A_352] {strides = array<i32>} : memref<26x512xi32, #tpu.memory_space<vmem>>, vector<16xi32>,
      %parallel_loop3A_354 = arith.constant 22000 : i32
      %parallel_loop3A_355 = vector.broadcast %parallel_loop3A_354 : i32 to vector<16xi32>
      %parallel_loop3A_356 = arith.addi %parallel_loop3A_353, %parallel_loop3A_355 : vector<16xi32>
      %parallel_loop3A_357 = tpu.vector_load_idx %arg6[%parallel_loop3A_356] : memref<26000xf32, #tpu.memory_space<vmem>>[vector<16xi32>], vector<16xf32>,
      %parallel_loop3A_358 = arith.constant 16 : i32
      %parallel_loop3A_359 = arith.muli %parallel_loop3A_127, %parallel_loop3A_358 : i32
      %parallel_loop3A_360 = arith.constant 23 : i32
      %parallel_loop3A_361 = arith.index_cast %parallel_loop3A_360 : i32 to index
      %parallel_loop3A_362 = arith.index_cast %parallel_loop3A_359 : i32 to index
      %parallel_loop3A_363 = tpu.vector_load %arg7[%parallel_loop3A_361, %parallel_loop3A_362] {strides = array<i32>} : memref<26x512xi32, #tpu.memory_space<vmem>>, vector<16xi32>,
      %parallel_loop3A_364 = arith.constant 23000 : i32
      %parallel_loop3A_365 = vector.broadcast %parallel_loop3A_364 : i32 to vector<16xi32>
      %parallel_loop3A_366 = arith.addi %parallel_loop3A_363, %parallel_loop3A_365 : vector<16xi32>
      %parallel_loop3A_367 = tpu.vector_load_idx %arg6[%parallel_loop3A_366] : memref<26000xf32, #tpu.memory_space<vmem>>[vector<16xi32>], vector<16xf32>,
      %parallel_loop3A_368 = arith.constant 16 : i32
      %parallel_loop3A_369 = arith.muli %parallel_loop3A_127, %parallel_loop3A_368 : i32
      %parallel_loop3A_370 = arith.constant 24 : i32
      %parallel_loop3A_371 = arith.index_cast %parallel_loop3A_370 : i32 to index
      %parallel_loop3A_372 = arith.index_cast %parallel_loop3A_369 : i32 to index
      %parallel_loop3A_373 = tpu.vector_load %arg7[%parallel_loop3A_371, %parallel_loop3A_372] {strides = array<i32>} : memref<26x512xi32, #tpu.memory_space<vmem>>, vector<16xi32>,
      %parallel_loop3A_374 = arith.constant 24000 : i32
      %parallel_loop3A_375 = vector.broadcast %parallel_loop3A_374 : i32 to vector<16xi32>
      %parallel_loop3A_376 = arith.addi %parallel_loop3A_373, %parallel_loop3A_375 : vector<16xi32>
      %parallel_loop3A_377 = tpu.vector_load_idx %arg6[%parallel_loop3A_376] : memref<26000xf32, #tpu.memory_space<vmem>>[vector<16xi32>], vector<16xf32>,
      %parallel_loop3A_378 = arith.constant 16 : i32
      %parallel_loop3A_379 = arith.muli %parallel_loop3A_127, %parallel_loop3A_378 : i32
      %parallel_loop3A_380 = arith.constant 25 : i32
      %parallel_loop3A_381 = arith.index_cast %parallel_loop3A_380 : i32 to index
      %parallel_loop3A_382 = arith.index_cast %parallel_loop3A_379 : i32 to index
      %parallel_loop3A_383 = tpu.vector_load %arg7[%parallel_loop3A_381, %parallel_loop3A_382] {strides = array<i32>} : memref<26x512xi32, #tpu.memory_space<vmem>>, vector<16xi32>,
      %parallel_loop3A_384 = arith.constant 25000 : i32
      %parallel_loop3A_385 = vector.broadcast %parallel_loop3A_384 : i32 to vector<16xi32>
      %parallel_loop3A_386 = arith.addi %parallel_loop3A_383, %parallel_loop3A_385 : vector<16xi32>
      %parallel_loop3A_387 = tpu.vector_load_idx %arg6[%parallel_loop3A_386] : memref<26000xf32, #tpu.memory_space<vmem>>[vector<16xi32>], vector<16xf32>,
      %parallel_loop3A_388 = arith.addf %parallel_loop3A_137, %parallel_loop3A_147 : vector<16xf32>
      %parallel_loop3A_389 = arith.addf %parallel_loop3A_157, %parallel_loop3A_167 : vector<16xf32>
      %parallel_loop3A_390 = arith.addf %parallel_loop3A_177, %parallel_loop3A_187 : vector<16xf32>
      %parallel_loop3A_391 = arith.addf %parallel_loop3A_197, %parallel_loop3A_207 : vector<16xf32>
      %parallel_loop3A_392 = arith.addf %parallel_loop3A_217, %parallel_loop3A_227 : vector<16xf32>
      %parallel_loop3A_393 = arith.addf %parallel_loop3A_237, %parallel_loop3A_247 : vector<16xf32>
      %parallel_loop3A_394 = arith.addf %parallel_loop3A_257, %parallel_loop3A_267 : vector<16xf32>
      %parallel_loop3A_395 = arith.addf %parallel_loop3A_277, %parallel_loop3A_287 : vector<16xf32>
      %parallel_loop3A_396 = arith.addf %parallel_loop3A_297, %parallel_loop3A_307 : vector<16xf32>
      %parallel_loop3A_397 = arith.addf %parallel_loop3A_317, %parallel_loop3A_327 : vector<16xf32>
      %parallel_loop3A_398 = arith.addf %parallel_loop3A_337, %parallel_loop3A_347 : vector<16xf32>
      %parallel_loop3A_399 = arith.addf %parallel_loop3A_357, %parallel_loop3A_367 : vector<16xf32>
      %parallel_loop3A_400 = arith.addf %parallel_loop3A_377, %parallel_loop3A_387 : vector<16xf32>
      %parallel_loop3A_401 = arith.addf %parallel_loop3A_388, %parallel_loop3A_389 : vector<16xf32>
      %parallel_loop3A_402 = arith.addf %parallel_loop3A_390, %parallel_loop3A_391 : vector<16xf32>
      %parallel_loop3A_403 = arith.addf %parallel_loop3A_392, %parallel_loop3A_393 : vector<16xf32>
      %parallel_loop3A_404 = arith.addf %parallel_loop3A_394, %parallel_loop3A_395 : vector<16xf32>
      %parallel_loop3A_405 = arith.addf %parallel_loop3A_396, %parallel_loop3A_397 : vector<16xf32>
      %parallel_loop3A_406 = arith.addf %parallel_loop3A_398, %parallel_loop3A_399 : vector<16xf32>
      %parallel_loop3A_407 = arith.addf %parallel_loop3A_401, %parallel_loop3A_402 : vector<16xf32>
      %parallel_loop3A_408 = arith.addf %parallel_loop3A_403, %parallel_loop3A_404 : vector<16xf32>
      %parallel_loop3A_409 = arith.addf %parallel_loop3A_405, %parallel_loop3A_406 : vector<16xf32>
      %parallel_loop3A_410 = arith.addf %parallel_loop3A_407, %parallel_loop3A_408 : vector<16xf32>
      %parallel_loop3A_411 = arith.addf %parallel_loop3A_409, %parallel_loop3A_400 : vector<16xf32>
      %parallel_loop3A_412 = arith.addf %parallel_loop3A_410, %parallel_loop3A_411 : vector<16xf32>
      %parallel_loop3A_413 = arith.addf %parallel_loop3A_412, %gather3A : vector<16xf32>
      %parallel_loop3A_414 = arith.constant 16 : i32
      %parallel_loop3A_415 = arith.muli %parallel_loop3A_127, %parallel_loop3A_414 : i32
      %parallel_loop3A_416 = arith.index_cast %parallel_loop3A_415 : i32 to index
      %parallel_loop3A_417 = tpu.vector_load %arg8[%parallel_loop3A_416] {strides = array<i32>} : memref<512xf32, #tpu.memory_space<vmem>>, vector<16xf32>,
      tpu.vector_store %arg8[%parallel_loop3A_416], %parallel_loop3A_413 {strides = array<i32>} : memref<512xf32, #tpu.memory_space<vmem>>, vector<16xf32>,
    } {sc.loop_unroll_factor = 2 : i64, sc.parallel_access}
    "tpu.region"() ({
      %run_scoped3A = tpu.sem_alloc : memref<!tpu.dma_semaphore, #tpu.memory_space<semaphore_mem>>
      %dma_start3A_127 = tpu.memref_slice %arg5[%mul3A_2] : memref<16384xf32, #tpu.memory_space<hbm>> -> memref<512xf32, #tpu.memory_space<hbm>>
      %dma_start3A_128 = tpu.memref_slice %arg5[%mul3A_2] : memref<16384xf32, #tpu.memory_space<hbm>> -> memref<512xf32, #tpu.memory_space<hbm>>
      tpu.enqueue_dma source(%arg8 : memref<512xf32, #tpu.memory_space<vmem>>) target(%dma_start3A_128 : memref<512xf32, #tpu.memory_space<hbm>>) target_semaphore(%run_scoped3A : memref<!tpu.dma_semaphore, #tpu.memory_space<semaphore_mem>>)
      %dma_wait3A_129 = tpu.memref_slice %arg5[%mul3A_2] : memref<16384xf32, #tpu.memory_space<hbm>> -> memref<512xf32, #tpu.memory_space<hbm>>
      %dma_wait3A_130 = tpu.memref_slice %arg5[%mul3A_2] : memref<16384xf32, #tpu.memory_space<hbm>> -> memref<512xf32, #tpu.memory_space<hbm>>
      tpu.wait_dma2 semaphore(%run_scoped3A : memref<!tpu.dma_semaphore, #tpu.memory_space<semaphore_mem>>) src(%arg8 : memref<512xf32, #tpu.memory_space<vmem>>) dst(%dma_wait3A_130 : memref<512xf32, #tpu.memory_space<hbm>>)
      tpu.yield
    }) : () -> ()
    return
  }
}

</mosaic_0001>

<sc_bundles>
// kernel: kernel.3.cloned.1.call-start
scs
__scs_entry_jumppad:
0x0: {  	(pc) =	sbr.rel $0x88, $3  }
0x1: {  	(tag) =	ssettag $0x0;
	lr =	simm.s32 $0x1  }
0x2: {  	[smem:$0x3F9E] =	sst lr;
	_ =	strace $0xD0000000  }
0x3: {  	_ = 	snop  }
0x4: {  	_ = 	snop  }
0x5: {  	_ = 	snop  }
0x6: {  	_ = 	snop  }
0x7: {  	_ = 	snop  }
__scs_overlays_trampoline_lowered:
0x8: {  	[smem:$0x3FAD] =	sst s0  }
0x9: {  	[smem:$0x3FAE] =	sst s1  }
0xa: {  	[smem:$0x3FAF] =	sst s2  }
0xb: {  	[smem:$0x3FB0] =	sst s3  }
0xc: {  	[smem:$0x3FB1] =	sst s4  }
0xd: {  	[smem:$0x3FB2] =	sst s5  }
0xe: {  	[smem:$0x3FB3] =	sst s6  }
0xf: {  	[smem:$0x3FB4] =	sst s7  }
0x10: {  	[smem:$0x3FB5] =	sst s8  }
0x11: {  	[smem:$0x3FB6] =	sst s9;
	s0 =	simm.s32 @!p0 $0x0  }
0x12: {  	s1 =	sld [smem:$0x3F9C];
	s0 =	simm.s32 @p0 $0x1  }
0x13: {  	[smem:$0x3FB7] =	sst s0;
	s0 =	simm.s32 @!p1 $0x0  }
0x14: {  	s2 =	sld [smem:$0x3F9B];
	s0 =	simm.s32 @p1 $0x1  }
0x15: {  	[smem:$0x3FB8] =	sst s0;
	s0 =	simm.s32 @!p2 $0x0  }
0x16: {  	s3 =	sld [smem:$0x3FDB];
	s0 =	simm.s32 @p2 $0x1  }
0x17: {  	s4 =	simm.s32 $0x1BF5;
	[smem:$0x3FBA] =	sst s0  }
0x18: {  	s0 =	sld [smem:$0x3F9D];
	_ =	swait.ge [sflag:s4], $0x0  }
0x19: {  	s7 =	sld [smem:$0x3F9E]  }
0x1a: {  	s8 =	sadd.s32 $0xFFFFE003, lr  }
0x1b: {  	s9 =	sadd.s32 $0xFFFFFEF7, lr;
	s5 =	simm.s32 $0xFFFFFFFF;
	p2 =	slt.u32 s8, $0xFFFFF086  }
0x1c: {  	p1 =	slt.u32 s9, $0xF7A;
	s5 =	simm.s32 @!p2 $0x0  }
0x1d: {  	s5 =	simm.s32 @p1 $0x1;
	p0 =	seq.s32 s7, s2  }
0x1e: {  	s7 =	smul.u32 @!p0 $0xF7A, s2;
	p2 =	seq.s32 @!p0 s5, $0x0  }
0x1f: {  	s9 =	smul.u32 $0xF7A, s1;
	s8 =	simm.s32 @!p0 $0x1BF5;
	p2 =	por !p2, p0  }
0x20: {  	[sflag:s8] =	ssyncset.s32 @!p0 $0xFFFFF086;
	s6 =	sadd.s32 @!p0 s3, s7;
	s7 =	simm.s32 @!p0 $0x108  }
0x21: {  	s3 =	sadd.s32 s3, s9;
	s6 =	sadd.s32 @!p0 $0x88, s6;
	s7 =	simm.s32 @p2 $0x1082  }
0x22: {  	[simem:s7], [sflag:s8] =	dma.local @!p0 [hbm:s6], $0xF7A  }
0x23: {  	s9 =	sor.u32 $0xD0000000, s2;
	s6 =	simm.s32 $0x108;
	_ =	swait.ge @!p0 [sflag:s8], $0x0  }
0x24: {  	s3 =	sadd.s32 $0x88, s3;
	s6 =	simm.s32 @!p1 $0x1082;
	[sflag:s4] =	ssyncset.s32 $0xFFFFF086  }
0x25: {  	[simem:s6], [sflag:s4] =	dma.local [hbm:s3], $0xF7A  }
0x26: {  	[smem:$0x3F9E] =	sst s1;
	(tag) =	ssettag s2;
	_ =	strace s9  }
0x27: {  	s1 =	sld [smem:$0x3FAE]  }
0x28: {  	s2 =	sld [smem:$0x3FAF]  }
0x29: {  	s4 =	sld [smem:$0x3FB1]  }
0x2a: {  	p0 =	seq.s32 s5, $0x0;
	s5 =	sld [smem:$0x3FB2]  }
0x2b: {  	s6 =	sld [smem:$0x3FB3]  }
0x2c: {  	s7 =	sld [smem:$0x3FB4]  }
0x2d: {  	s3 =	simm.s32 $0x108;
	s8 =	sld [smem:$0x3FB5]  }
0x2e: {  	s3 =	simm.s32 @!p0 $0x1082;
	s9 =	sld [smem:$0x3FB6]  }
0x2f: {  	lr =	sadd.s32 s0, s3;
	s0 =	sld [smem:$0x3FAD]  }
0x30: {  	s3 =	sld [smem:$0x3FB0]  }
0x31: {  	[smem:$0x3FB9] =	sst s10  }
0x32: {  	s10 =	sld [smem:$0x3FB7];
	_ =	sdelay $0x3  }
0x33: {  	p0 =	seq.s32 s10, $0x1;
	s10 =	sld [smem:$0x3FB9];
	_ =	sdelay $0x3  }
0x34: {  	[smem:$0x3FB9] =	sst s10  }
0x35: {  	s10 =	sld [smem:$0x3FB8];
	_ =	sdelay $0x3  }
0x36: {  	p1 =	seq.s32 s10, $0x1;
	s10 =	sld [smem:$0x3FB9];
	_ =	sdelay $0x3  }
0x37: {  	[smem:$0x3FB9] =	sst s10  }
0x38: {  	s10 =	sld [smem:$0x3FBA]  }
0x39: {  	_ = 	snop;
	(pc) =	sbr.ind lr, $3  }
0x3a: {  	_ = 	snop  }
0x3b: {  	_ = 	snop  }
0x3c: {  	p2 =	seq.s32 s10, $0x1;
	s10 =	sld [smem:$0x3FB9]  }
0x3d: {  	_ =	shalt  }
0x3e: {  	_ =	shalt  }
0x3f: {  	_ =	shalt  }
0x40: {  	_ =	shalt  }
0x41: {  	_ =	shalt  }
0x42: {  	_ =	shalt  }
0x43: {  	_ =	shalt  }
0x44: {  	_ =	shalt  }
0x45: {  	_ =	shalt  }
0x46: {  	_ =	shalt  }
0x47: {  	_ =	shalt  }
0x48: {  	_ =	shalt  }
0x49: {  	_ =	shalt  }
0x4a: {  	_ =	shalt  }
0x4b: {  	_ =	shalt  }
0x4c: {  	_ =	shalt  }
0x4d: {  	_ =	shalt  }
0x4e: {  	_ =	shalt  }
0x4f: {  	_ =	shalt  }
0x50: {  	_ =	shalt  }
0x51: {  	_ =	shalt  }
0x52: {  	_ =	shalt  }
0x53: {  	_ =	shalt  }
0x54: {  	_ =	shalt  }
0x55: {  	_ =	shalt  }
0x56: {  	_ =	shalt  }
0x57: {  	_ =	shalt  }
0x58: {  	_ =	shalt  }
0x59: {  	_ =	shalt  }
0x5a: {  	_ =	shalt  }
0x5b: {  	_ =	shalt  }
0x5c: {  	_ =	shalt  }
0x5d: {  	_ =	shalt  }
0x5e: {  	_ =	shalt  }
0x5f: {  	_ =	shalt  }
0x60: {  	_ =	shalt  }
0x61: {  	_ =	shalt  }
0x62: {  	_ =	shalt  }
0x63: {  	_ =	shalt  }
0x64: {  	_ =	shalt  }
0x65: {  	_ =	shalt  }
0x66: {  	_ =	shalt  }
0x67: {  	_ =	shalt  }
0x68: {  	_ =	shalt  }
0x69: {  	_ =	shalt  }
0x6a: {  	_ =	shalt  }
0x6b: {  	_ =	shalt  }
0x6c: {  	_ =	shalt  }
0x6d: {  	_ =	shalt  }
0x6e: {  	_ =	shalt  }
0x6f: {  	_ =	shalt  }
0x70: {  	_ =	shalt  }
0x71: {  	_ =	shalt  }
0x72: {  	_ =	shalt  }
0x73: {  	_ =	shalt  }
0x74: {  	_ =	shalt  }
0x75: {  	_ =	shalt  }
0x76: {  	_ =	shalt  }
0x77: {  	_ =	shalt  }
0x78: {  	_ =	shalt  }
0x79: {  	_ =	shalt  }
0x7a: {  	_ =	shalt  }
0x7b: {  	_ =	shalt  }
0x7c: {  	_ =	shalt  }
0x7d: {  	_ =	shalt  }
0x7e: {  	_ =	shalt  }
0x7f: {  	_ =	shalt  }
0x80: {  	_ =	shalt  }
0x81: {  	_ =	shalt  }
0x82: {  	_ =	shalt  }
0x83: {  	_ =	shalt  }
0x84: {  	_ =	shalt  }
0x85: {  	_ =	shalt  }
0x86: {  	_ =	shalt  }
0x87: {  	_ =	shalt  }
.Lfunc_end0:
.L_simem_size_0:
called_computation_lowered:
.L_overlay_start_0:
0x88: {  	s2 =	sld [smem:$0x3FD9]  }
0x89: {  	s3 =	sld [smem:$0x3FFE];
	_ =	sdelay $0x1  }
0x8a: {  	s1 =	srdreg.scid  }
0x8b: {  	s0 =	sand.u32 $0x1, s1  }
0x8c: {  	s17 =	sshll.u32 s0, $0xA;
	s2 =	sadd.s32 s3, s2  }
0x8d: {  	s2 =	sadd.s32 s2, s17  }
0x8e: {  	[smem:$0x3FC5] =	sst s2  }
0x8f: {  	_ = 	snop  }
0x90: {  	s2 =	sld [smem:$0x3FC7]  }
0x91: {  	s18 =	sld [smem:$0x3FD0];
	(tm) =	ssettm $0x1  }
0x92: {  	s4 =	sld [smem:$0x3FFB];
	_ =	sdelay $0x3  }
0x93: {  	_ =	strace s4  }
0x94: {  	s4 =	sld [smem:$0x3FFC];
	_ =	sdelay $0x3  }
0x95: {  	_ =	strace s4  }
0x96: {  	s4 =	sld [smem:$0x3FFD];
	_ =	sdelay $0x3  }
0x97: {  	_ =	strace s4  }
0x98: {  	_ =	strace $0x8FFFFFFF  }
0x99: {  	s19 =	sld [smem:$0x3FDB];
	_ =	sdelay $0x1  }
0x9a: {  	s5 =	simm.s32 $_scs_section_size  }
0x9b: {  	s6 =	simm.s32 $_size__tile_overlayer_lowered;
	s7 =	simm.s32 $_tile_overlayer_lowered  }
0x9c: {  	s22 =	simm.s32 $0x1BFF;
	s21 =	sshll.u32 s7, $0x1;
	s4 =	sadd.s32 s5, s19  }
0x9d: {  	s8 =	simm.s32 $0x0;
	s20 =	sshll.u32 s6, $0x1;
	s6 =	sadd.s32 s21, s4  }
0x9e: {  	[timem:s8], [sflag:s22] =	dma.local [hbm:s6], s20  }
0x9f: {  	_ =	swait.ge [sflag:s22], s20  }
0xa0: {  	s5 =	ssub.s32 $0x0, s20;
	[sflag:s22] =	ssyncset.done $0x0  }
0xa1: {  	[sflag:s22] =	ssyncadd.s32 s5;
	_ =	sdelay $0x1  }
0xa2: {  	s23 =	simm.s32 $0x1B8B  }
0xa3: {  	_ =	swait.ge [sflag:s23], $0x1  }
0xa4: {  	[sflag:s23] =	ssyncset.done $0x0  }
0xa5: {  	s25 =	simm.s32 $0x1B8E;
	s24 =	sld [smem:$0x3FFE];
	[sflag:s23] =	ssyncadd.s32 $0xFFFFFFFF  }
0xa6: {  	s26 =	simm.s32 $execute0_lowered;
	[smem:$0x3FD2] =	sst s25  }
0xa7: {  	s6 =	sshll.u32 s26, $0x1;
	_ =	strace $0x80000046;
	[dreg:$0x1] =	wrdreg $0xFFFFFFFF  }
0xa8: {  	s28 =	simm.s32 $_size_execute0_lowered;
	s4 =	sadd.s32 s4, s6;
	[dreg:$0x0] =	wrdreg $0x0  }
0xa9: {  	s6 =	sshll.u32 s28, $0x1;
	[dreg:$0x2] =	wrdreg s4  }
0xaa: {  	[dreg:$0x3] =	wrdreg s6  }
0xab: {  	[dreg:$0x4] =	wrdreg $0xC0  }
0xac: {  	_ =	task [dreg:s8], $0x5FFFF  }
0xad: {  	[dreg:$0x1] =	wrdreg $0xFFFFFFFF  }
0xae: {  	[dreg:$0x0] =	wrdreg $0x60  }
0xaf: {  	[dreg:$0x2] =	wrdreg s24  }
0xb0: {  	[dreg:$0x3] =	wrdreg s2  }
0xb1: {  	[dreg:$0x4] =	wrdreg s18  }
0xb2: {  	[dreg:$0x5] =	wrdreg $0x9  }
0xb3: {  	_ =	task.clear_ibuf [dreg:s8], $0x6FFFF;
	_ =	strace $0x90000046  }
0xb4: {  	s29 =	simm.s32 $0x9;
	_ =	strace $0x80000048  }
0xb5: {  	_ =	swait.ge [sflag:s29], $0x1  }
0xb6: {  	[sflag:s29] =	ssyncadd.s32 $0xFFFFFFFF  }
0xb7: {  	_ =	strace $0x90000048  }
0xb8: {  	_ =	sfence  }
0xb9: {  	s30 =	sld [smem:$0x0];
	_ =	sdelay $0x2  }
0xba: {  	s31 =	sshll.u32 s1, $0xD;
	s1 =	sshrl.u32 s1, $0x2  }
0xbb: {  	s3 =	sand.u32 $0x4000, s31;
	s1 =	sadd.s32 s1, s30  }
0xbc: {  	s0 =	sor.u32 s3, s0;
	s1 =	sshll.u32 s1, $0x11  }
0xbd: {  	s0 =	sor.u32 s1, s0  }
0xbe: {  	s0 =	sadd.s32 $0x8F2B, s0  }
0xbf: {  	[sflag:s0] =	ssyncadd.remote.s32 $0x1  }
0xc0: {  	_ =	sfence.sel $0xFFFF  }
0xc1: {  	[dreg:$0x0] =	wrdreg $0xFFFFFFFF;
	(pc) =	sbr.abs _section_cstart, $3  }
0xc2: {  	[dreg:$0x1] =	wrdreg $0xFFFFFFFF  }
0xc3: {  	_ =	task.clear_ibuf [dreg:s8], $0x2FFFF;
	_ =	strace $0x9FFFFFFF  }
0xc4: {  	(tm) =	ssettm $0x7FFFFFFF  }
0xc5: {  	_ =	shalt  }
tec
execute0_lowered:
.L_overlay_start_1:
0x0: {  	(tag) =	ssettag $0x1  }
0x1: {  	s0 =	rddreg [dreg:$0x0];
	s1 =	srdreg.scid  }
0x2: {  	s3 =	stileid.u32;
	s2 =	rddreg [dreg:$0x2];
	s7 =	simm.s32 $0x3  }
0x3: {  	s15 =	simm.s32 $0x1;
	s17 =	simm.s32 $0x0;
	s1 =	sand.u32 $0x1, s1  }
0x4: {  	s4 =	sshll.u32 s3, $0x1;
	s3 =	simm.s32 $0x0;
	s6 =	sadd.s32 $0x10200, s0  }
0x5: {  	s26 =	sadd.s32 $0x10B86, s0;
	s28 =	sadd.s32 $0x1052D, s0;
	[smem:$0x7FF] =	sst s3  }
0x6: {  	s4 =	sor.u32 s1, s4;
	_ =	strace $0x80000047;
	[dreg:$0x4] =	wrdreg s6  }
0x7: {  	s1 =	ssub.s32 $0x2, s1;
	s5 =	sshll.u32 s4, $0xB;
	[dreg:$0x5] =	wrdreg s26  }
0x8: {  	s25 =	sshrl.u32 s1, $0x1;
	s9 =	sand.u32 $0x3, s4;
	[dreg:$0x6] =	wrdreg s28  }
0x9: {  	s30 =	sshll.u32 s4, $0x6;
	s8 =	sadd.s32 s5, s0;
	s0 =	sadd.s32 $0x10859, s0  }
0xa: {  	s1 =	ssub.s32 s1, s25;
	[dreg:$0x7] =	wrdreg s0;
	s29 =	sadd.s32 $0x200, s8  }
0xb: {  	p3 =	sgt.s32 s9, $0x1;
	s0 =	sadd.s32 s2, s30;
	[dreg:$0x8] =	wrdreg s29  }
0xc: {  	s31 =	smax.u32 s1, $0x1;
	p1 =	seq.s32 @p3 s9, $0x2;
	[dreg:$0x9] =	wrdreg s0  }
0xd: {  	p4 =	seq.s32 @!p3 s9, $0x0;
	[dreg:$0xa] =	wrdreg s31;
	p0 =	por !p1, !p3  }
0xe: {  	p1 =	por p1, !p3;
	p2 =	por !p4, p3;
	p3 =	por p4, p3  }
.LBB2_1:
0xf: {  	s0 =	simm.s32 @!p0 $0x0;
	s1 =	simm.s32 @!p0 $0x32C8;
	s6 =	rddreg [dreg:$0x7]  }
0x10: {  	[tilespmem:s1], [sflag:$0x1] =	stream.linear.gather @!p0 [hbm4b:s6+s0], $0x1968, $0x38;
	[tilespmem:$0xA880] =	vst v63  }
0x11: {  	s4 =	rddreg [dreg:$0x5];
	s1 =	simm.s32 @!p0 $0x4C30  }
0x12: {  	[tilespmem:s1], [sflag:$0x1] =	stream.linear.gather @!p0 [hbm4b:s4+s0], $0x1960, $0x38;
	[tilespmem:$0xA880] =	vst v63  }
0x13: {  	s2 =	rddreg [dreg:$0x4]  }
0x14: {  	[tilespmem:s0], [sflag:$0x1] =	stream.linear.gather @!p0 [hbm4b:s2+s0], $0x1968, $0x38;
	[tilespmem:$0xA880] =	vst v63  }
0x15: {  	s5 =	rddreg [dreg:$0x6];
	s1 =	simm.s32 @!p0 $0x1968  }
0x16: {  	[tilespmem:s1], [sflag:$0x1] =	stream.linear.gather @!p0 [hbm4b:s5+s0], $0x1960, $0x38;
	[tilespmem:$0xA880] =	vst v63  }
0x17: {  	s0 =	simm.s32 @!p1 $0x0;
	s1 =	simm.s32 @!p1 $0x4C30  }
0x18: {  	[tilespmem:s1], [sflag:$0x1] =	stream.linear.gather @!p1 [hbm4b:s4+s0], $0x1960, $0x38;
	[tilespmem:$0xA880] =	vst v63  }
0x19: {  	_ = 	snop  }
0x1a: {  	[tilespmem:s0], [sflag:$0x1] =	stream.linear.gather @!p1 [hbm4b:s2+s0], $0x1968, $0x38;
	[tilespmem:$0xA880] =	vst v63  }
0x1b: {  	s1 =	simm.s32 @!p1 $0x1968  }
0x1c: {  	[tilespmem:s1], [sflag:$0x1] =	stream.linear.gather @!p1 [hbm4b:s5+s0], $0x1960, $0x38;
	[tilespmem:$0xA880] =	vst v63  }
0x1d: {  	s1 =	simm.s32 @!p1 $0x32C8  }
0x1e: {  	[tilespmem:s1], [sflag:$0x1] =	stream.linear.gather @!p1 [hbm4b:s6+s0], $0x1968, $0x38;
	[tilespmem:$0xA880] =	vst v63  }
0x1f: {  	s0 =	simm.s32 @!p2 $0x0  }
0x20: {  	[tilespmem:s0], [sflag:$0x1] =	stream.linear.gather @!p2 [hbm4b:s2+s0], $0x1968, $0x38;
	[tilespmem:$0xA880] =	vst v63  }
0x21: {  	s1 =	simm.s32 @!p2 $0x1968  }
0x22: {  	[tilespmem:s1], [sflag:$0x1] =	stream.linear.gather @!p2 [hbm4b:s5+s0], $0x1960, $0x38;
	[tilespmem:$0xA880] =	vst v63  }
0x23: {  	s1 =	simm.s32 @!p2 $0x32C8  }
0x24: {  	[tilespmem:s1], [sflag:$0x1] =	stream.linear.gather @!p2 [hbm4b:s6+s0], $0x1968, $0x38;
	[tilespmem:$0xA880] =	vst v63  }
0x25: {  	s1 =	simm.s32 @!p2 $0x4C30  }
0x26: {  	[tilespmem:s1], [sflag:$0x1] =	stream.linear.gather @!p2 [hbm4b:s4+s0], $0x1960, $0x38;
	[tilespmem:$0xA880] =	vst v63  }
0x27: {  	s0 =	simm.s32 @!p3 $0x0;
	s1 =	simm.s32 @!p3 $0x1968  }
0x28: {  	[tilespmem:s1], [sflag:$0x1] =	stream.linear.gather @!p3 [hbm4b:s5+s0], $0x1960, $0x38;
	[tilespmem:$0xA880] =	vst v63  }
0x29: {  	s1 =	simm.s32 @!p3 $0x32C8  }
0x2a: {  	[tilespmem:s1], [sflag:$0x1] =	stream.linear.gather @!p3 [hbm4b:s6+s0], $0x1968, $0x38;
	[tilespmem:$0xA880] =	vst v63  }
0x2b: {  	s1 =	simm.s32 @!p3 $0x4C30  }
0x2c: {  	[tilespmem:s1], [sflag:$0x1] =	stream.linear.gather @!p3 [hbm4b:s4+s0], $0x1960, $0x38;
	[tilespmem:$0xA880] =	vst v63  }
0x2d: {  	_ = 	snop  }
0x2e: {  	[tilespmem:s0], [sflag:$0x1] =	stream.linear.gather @!p3 [hbm4b:s2+s0], $0x1968, $0x38;
	[tilespmem:$0xA880] =	vst v63  }
0x2f: {  	s18 =	simm.s32 $0x0;
	s24 =	rddreg [dreg:$0x8];
	s25 =	simm.s32 $0x6600  }
0x30: {  	[tilespmem:s25], [sflag:$0x2] =	stream.linear.gather [hbm4b:s24+s18], $0x4000, $0x38;
	[tilespmem:$0xA880] =	vst v63  }
0x31: {  	s26 =	rddreg [dreg:$0x1];
	s6 =	simm.s32 $0xA800  }
0x32: {  	[tilespmem:s6], [sflag:$0x3] =	stream.linear.gather [hbm4b:s26+s18], $0x80, $0x38;
	[tilespmem:$0xA880] =	vst v63  }
0x33: {  	_ =	swait.ge [sflag:s7], $0x80  }
0x34: {  	[sflag:s7] =	ssyncset.done $0x0  }
0x35: {  	s28 =	simm.s32 $0x2;
	[sflag:s7] =	ssyncadd.s32 $0xFFFFFF80  }
0x36: {  	_ =	swait.ge [sflag:s28], $0x4000  }
0x37: {  	[sflag:s28] =	ssyncset.done $0x0  }
0x38: {  	[sflag:s28] =	ssyncadd.s32 $0xFFFFC000  }
0x39: {  	_ =	swait.ge [sflag:s15], $0x1968  }
0x3a: {  	[sflag:s15] =	ssyncset.done $0x0  }
0x3b: {  	[sflag:s15] =	ssyncadd.s32 $0xFFFFE698  }
0x3c: {  	_ =	swait.ge [sflag:s15], $0x1960  }
0x3d: {  	[sflag:s15] =	ssyncset.done $0x0  }
0x3e: {  	[sflag:s15] =	ssyncadd.s32 $0xFFFFE6A0  }
0x3f: {  	_ =	swait.ge [sflag:s15], $0x1968  }
0x40: {  	[sflag:s15] =	ssyncset.done $0x0  }
0x41: {  	[sflag:s15] =	ssyncadd.s32 $0xFFFFE698  }
0x42: {  	s0 =	sand.u32 $0x60, s18;
	s28 =	sand.u32 $0xC00, s18;
	_ =	swait.ge [sflag:s15], $0x1960  }
0x43: {  	s19 =	sor.u32 $0x10, s0;
	s1 =	sadd.s32 $0x9600, s28;
	[sflag:s15] =	ssyncset.done $0x0  }
0x44: {  	s2 =	sadd.s32 $0x9680, s28;
	s8 =	sor.u32 s19, s1;
	[sflag:s15] =	ssyncadd.s32 $0xFFFFE6A0  }
0x45: {  	s4 =	sadd.s32 $0x6600, s28;
	s29 =	sor.u32 s19, s2;
	v1 =	vld [tilespmem:s8+$0x0]  }
0x46: {  	s10 =	sor.u32 s19, s4;
	v3 =	vld [tilespmem:s29+$0x0]  }
0x47: {  	v0 =	vld [tilespmem:s10+$0x0]  }
0x48: {  	v2 =	vld [tilespmem:s10+$0x80]  }
0x49: {  	v4 =	vld [tilespmem:s10+$0x100]  }
0x4a: {  	v5 =	vld [tilespmem:s10+$0x180]  }
0x4b: {  	v6 =	vld [tilespmem:s10+$0x200]  }
0x4c: {  	v7 =	vld [tilespmem:s10+$0x280]  }
0x4d: {  	s9 =	sadd.s32 $0x7680, s28;
	v8 =	vld [tilespmem:s10+$0x300]  }
0x4e: {  	s30 =	sadd.s32 $0x8900, s28;
	s12 =	sor.u32 s19, s9;
	v9 =	vld [tilespmem:s10+$0x380]  }
0x4f: {  	s5 =	sor.u32 s19, s30;
	s8 =	sadd.s32 $0x7600, s28;
	v11 =	vld [tilespmem:s12+$0x0]  }
0x50: {  	s10 =	sadd.s32 $0x7700, s28;
	v24 =	vld [tilespmem:s5+$0x0];
	s11 =	sor.u32 s19, s8  }
0x51: {  	s12 =	sadd.s32 $0x7800, s28;
	s13 =	sor.u32 s19, s10;
	v10 =	vld [tilespmem:s11+$0x0]  }
0x52: {  	s16 =	sor.u32 s19, s12;
	s11 =	sadd.s32 $0x7780, s28;
	v12 =	vld [tilespmem:s13+$0x0]  }
0x53: {  	s13 =	sadd.s32 $0x7880, s28;
	v14 =	vld [tilespmem:s16+$0x0];
	s14 =	sor.u32 s19, s11  }
0x54: {  	s16 =	sadd.s32 $0x7980, s28;
	s20 =	sor.u32 s19, s13;
	v13 =	vld [tilespmem:s14+$0x0]  }
0x55: {  	s22 =	sor.u32 s19, s16;
	s14 =	sadd.s32 $0x7900, s28;
	v15 =	vld [tilespmem:s20+$0x0]  }
0x56: {  	s20 =	sadd.s32 $0x8600, s28;
	v17 =	vld [tilespmem:s22+$0x0];
	s21 =	sor.u32 s19, s14  }
0x57: {  	s22 =	sadd.s32 $0x8700, s28;
	s23 =	sor.u32 s19, s20;
	v16 =	vld [tilespmem:s21+$0x0]  }
0x58: {  	s25 =	sor.u32 s19, s22;
	v18 =	vld [tilespmem:s23+$0x0]  }
0x59: {  	s21 =	sadd.s32 $0x8680, s28;
	v20 =	vld [tilespmem:s25+$0x0]  }
0x5a: {  	s23 =	sadd.s32 $0x8780, s28;
	s24 =	sor.u32 s19, s21;
	v26 =	vld.idx.msk [tilespmem:v0+s3+$0x0], $0xffff;
	v0 =	vadd.s32 $0x1388, v7  }
0x5b: {  	v2 =	vadd.s32 $0x3E8, v2;
	s25 =	sadd.s32 $0x8880, s28;
	s26 =	sor.u32 s19, s23;
	v19 =	vld [tilespmem:s24+$0x0]  }
0x5c: {  	s31 =	sor.u32 s19, s25;
	s24 =	sadd.s32 $0x8800, s28;
	v21 =	vld [tilespmem:s26+$0x0]  }
0x5d: {  	v4 =	vadd.s32 $0x7D0, v4;
	v23 =	vld [tilespmem:s31+$0x0];
	s29 =	sor.u32 s19, s24  }
0x5e: {  	v5 =	vadd.s32 $0xBB8, v5;
	v22 =	vld [tilespmem:s29+$0x0]  }
0x5f: {  	v6 =	vadd.s32 $0xFA0, v6;
	s28 =	sadd.s32 $0x8980, s28;
	v0 =	vld.idx.msk [tilespmem:v0+s3+$0x0], $0xffff  }
0x60: {  	s7 =	sor.u32 s19, s28;
	v27 =	vld.idx.msk [tilespmem:v2+s3+$0x0], $0xffff;
	v2 =	vadd.s32 $0x1770, v8  }
0x61: {  	v25 =	vld [tilespmem:s7+$0x0]  }
0x62: {  	v28 =	vld.idx.msk [tilespmem:v4+s3+$0x0], $0xffff  }
0x63: {  	v30 =	vld.idx.msk [tilespmem:v5+s3+$0x0], $0xffff  }
0x64: {  	v29 =	vld.idx.msk [tilespmem:v6+s3+$0x0], $0xffff;
	[tilespmem:$0x1FDE0] =	vst v0  }
0x65: {  	v2 =	vld.idx.msk [tilespmem:v2+s3+$0x0], $0xffff  }
0x66: {  	v4 =	vadd.s32 $0x1B58, v9;
	_ =	sdelay $0x3  }
0x67: {  	[tilespmem:$0x1FDF0] =	vst v2  }
0x68: {  	v4 =	vld.idx.msk [tilespmem:v4+s3+$0x0], $0xffff  }
0x69: {  	v0 =	vadd.s32 $0x2710, v12;
	_ =	sdelay $0x3  }
0x6a: {  	v5 =	vadd.s32 $0x1F40, v10;
	[tilespmem:$0x1FE00] =	vst v4  }
0x6b: {  	v6 =	vadd.s32 $0x2328, v11;
	v0 =	vld.idx.msk [tilespmem:v0+s3+$0x0], $0xffff  }
0x6c: {  	v2 =	vadd.s32 $0x2AF8, v13;
	_ =	sdelay $0x2  }
0x6d: {  	v4 =	vadd.s32 $0x2EE0, v14;
	v14 =	vld.idx.msk [tilespmem:v5+s3+$0x0], $0xffff  }
0x6e: {  	v5 =	vadd.s32 $0x32C8, v15;
	v15 =	vld.idx.msk [tilespmem:v6+s3+$0x0], $0xffff;
	[tilespmem:$0x1FE10] =	vst v0  }
0x6f: {  	v0 =	vld.idx.msk [tilespmem:v2+s3+$0x0], $0xffff;
	_ =	sdelay $0x4  }
0x70: {  	[tilespmem:$0x1FE20] =	vst v0  }
0x71: {  	v0 =	vld.idx.msk [tilespmem:v4+s3+$0x0], $0xffff;
	_ =	sdelay $0x4  }
0x72: {  	[tilespmem:$0x1FE30] =	vst v0  }
0x73: {  	v0 =	vld.idx.msk [tilespmem:v5+s3+$0x0], $0xffff  }
0x74: {  	v6 =	vadd.s32 $0x36B0, v16;
	_ =	sdelay $0x3  }
0x75: {  	[tilespmem:$0x1FE40] =	vst v0  }
0x76: {  	v0 =	vld.idx.msk [tilespmem:v6+s3+$0x0], $0xffff  }
0x77: {  	v7 =	vadd.s32 $0x3A98, v17;
	_ =	sdelay $0x3  }
0x78: {  	[tilespmem:$0x1FE50] =	vst v0  }
0x79: {  	v0 =	vld.idx.msk [tilespmem:v7+s3+$0x0], $0xffff  }
0x7a: {  	v6 =	vadd.s32 $0x4A38, v21  }
0x7b: {  	v8 =	vadd.s32 $0x3E80, v18;
	_ =	sdelay $0x2  }
0x7c: {  	v4 =	vadd.s32 $0x4268, v19;
	[tilespmem:$0x1FE60] =	vst v0  }
0x7d: {  	v5 =	vadd.s32 $0x4650, v20;
	v0 =	vld.idx.msk [tilespmem:v6+s3+$0x0], $0xffff  }
0x7e: {  	v7 =	vadd.s32 $0x4E20, v22;
	v22 =	vld.idx.msk [tilespmem:v8+s3+$0x0], $0xffff;
	v8 =	vadd.s32 $0x5208, v23;
	_ =	sdelay $0x2  }
0x7f: {  	v23 =	vld.idx.msk [tilespmem:v4+s3+$0x0], $0xffff  }
0x80: {  	v4 =	vadd.s32 $0x55F0, v24;
	v24 =	vld.idx.msk [tilespmem:v5+s3+$0x0], $0xffff;
	[tilespmem:$0x1FE70] =	vst v0  }
0x81: {  	v0 =	vld.idx.msk [tilespmem:v8+s3+$0x0], $0xffff;
	_ =	sdelay $0x4  }
0x82: {  	v5 =	vadd.s32 $0x59D8, v25;
	v25 =	vld.idx.msk [tilespmem:v7+s3+$0x0], $0xffff;
	[tilespmem:$0x1FE80] =	vst v0  }
0x83: {  	v0 =	vld.idx.msk [tilespmem:v4+s3+$0x0], $0xffff;
	_ =	sdelay $0x4  }
0x84: {  	[tilespmem:$0x1FE90] =	vst v0  }
0x85: {  	v0 =	vld.idx.msk [tilespmem:v5+s3+$0x0], $0xffff  }
0x86: {  	v3 =	vadd.s32 $0x61A8, v3;
	_ =	sdelay $0x3  }
0x87: {  	[tilespmem:$0x1FEA0] =	vst v0  }
0x88: {  	v1 =	vadd.s32 $0x5DC0, v1;
	v0 =	vld.idx.msk [tilespmem:v3+s3+$0x0], $0xffff;
	_ =	sdelay $0x1  }
0x89: {  	s4 =	sor.u32 s0, s4  }
0x8a: {  	v4 =	vld [tilespmem:s4+$0x80]  }
0x8b: {  	v5 =	vld [tilespmem:s4+$0x100]  }
0x8c: {  	v21 =	vld.idx.msk [tilespmem:v1+s3+$0x0], $0xffff;
	[tilespmem:$0x1FEB0] =	vst v0  }
0x8d: {  	v3 =	vld [tilespmem:s4+$0x180]  }
0x8e: {  	v6 =	vld [tilespmem:s4+$0x200]  }
0x8f: {  	v7 =	vld [tilespmem:s4+$0x280]  }
0x90: {  	v8 =	vld [tilespmem:s4+$0x300]  }
0x91: {  	s8 =	sor.u32 s0, s8;
	v9 =	vld [tilespmem:s4+$0x380]  }
0x92: {  	s9 =	sor.u32 s0, s9;
	v10 =	vld [tilespmem:s8+$0x0]  }
0x93: {  	s10 =	sor.u32 s0, s10;
	v11 =	vld [tilespmem:s9+$0x0]  }
0x94: {  	s11 =	sor.u32 s0, s11;
	v12 =	vld [tilespmem:s10+$0x0]  }
0x95: {  	s12 =	sor.u32 s0, s12;
	v13 =	vld [tilespmem:s11+$0x0]  }
0x96: {  	s13 =	sor.u32 s0, s13;
	v32 =	vld [tilespmem:s12+$0x0]  }
0x97: {  	s14 =	sor.u32 s0, s14;
	v33 =	vld [tilespmem:s13+$0x0]  }
0x98: {  	s16 =	sor.u32 s0, s16;
	v34 =	vld [tilespmem:s14+$0x0]  }
0x99: {  	s20 =	sor.u32 s0, s20;
	v36 =	vld [tilespmem:s16+$0x0]  }
0x9a: {  	s21 =	sor.u32 s0, s21;
	v37 =	vld [tilespmem:s20+$0x0]  }
0x9b: {  	s22 =	sor.u32 s0, s22;
	v4 =	vadd.s32 $0x3E8, v4;
	v39 =	vld [tilespmem:s21+$0x0]  }
0x9c: {  	s23 =	sor.u32 s0, s23;
	v40 =	vld [tilespmem:s22+$0x0]  }
0x9d: {  	s24 =	sor.u32 s0, s24;
	v41 =	vld [tilespmem:s23+$0x0]  }
0x9e: {  	s25 =	sor.u32 s0, s25;
	v43 =	vld [tilespmem:s24+$0x0]  }
0x9f: {  	v44 =	vld [tilespmem:s25+$0x0]  }
0xa0: {  	s26 =	sor.u32 s0, s30;
	v0 =	vld.idx.msk [tilespmem:v4+s3+$0x0], $0xffff  }
0xa1: {  	s29 =	sor.u32 s0, s28;
	v5 =	vadd.s32 $0x7D0, v5;
	v45 =	vld [tilespmem:s26+$0x0]  }
0xa2: {  	v46 =	vld [tilespmem:s29+$0x0]  }
0xa3: {  	s1 =	sor.u32 s0, s1;
	v51 =	vld [tilespmem:s4+$0x0]  }
0xa4: {  	s0 =	sor.u32 s0, s2;
	v48 =	vld [tilespmem:s1+$0x0]  }
0xa5: {  	v49 =	vld [tilespmem:s0+$0x0];
	[tilespmem:$0x1FFD0] =	vst v0  }
0xa6: {  	v0 =	vld.idx.msk [tilespmem:v5+s3+$0x0], $0xffff  }
0xa7: {  	v3 =	vadd.s32 $0xBB8, v3;
	_ =	sdelay $0x3  }
0xa8: {  	[tilespmem:$0x1FF30] =	vst v0  }
0xa9: {  	v0 =	vld.idx.msk [tilespmem:v3+s3+$0x0], $0xffff  }
0xaa: {  	v6 =	vadd.s32 $0xFA0, v6;
	_ =	sdelay $0x3  }
0xab: {  	[tilespmem:$0x1FF40] =	vst v0  }
0xac: {  	v0 =	vld.idx.msk [tilespmem:v6+s3+$0x0], $0xffff  }
0xad: {  	v7 =	vadd.s32 $0x1388, v7;
	_ =	sdelay $0x3  }
0xae: {  	[tilespmem:$0x1FEC0] =	vst v0  }
0xaf: {  	v0 =	vld.idx.msk [tilespmem:v7+s3+$0x0], $0xffff  }
0xb0: {  	v8 =	vadd.s32 $0x1770, v8;
	_ =	sdelay $0x3  }
0xb1: {  	[tilespmem:$0x1FED0] =	vst v0  }
0xb2: {  	v0 =	vld.idx.msk [tilespmem:v8+s3+$0x0], $0xffff  }
0xb3: {  	v4 =	vadd.s32 $0x1B58, v9;
	_ =	sdelay $0x3  }
0xb4: {  	[tilespmem:$0x1FEE0] =	vst v0  }
0xb5: {  	v0 =	vld.idx.msk [tilespmem:v4+s3+$0x0], $0xffff  }
0xb6: {  	v5 =	vadd.s32 $0x1F40, v10;
	_ =	sdelay $0x3  }
0xb7: {  	[tilespmem:$0x1FEF0] =	vst v0  }
0xb8: {  	v0 =	vld.idx.msk [tilespmem:v5+s3+$0x0], $0xffff  }
0xb9: {  	v3 =	vadd.s32 $0x2328, v11;
	_ =	sdelay $0x3  }
0xba: {  	[tilespmem:$0x1FF00] =	vst v0  }
0xbb: {  	v0 =	vld.idx.msk [tilespmem:v3+s3+$0x0], $0xffff  }
0xbc: {  	v6 =	vadd.s32 $0x2710, v12;
	_ =	sdelay $0x3  }
0xbd: {  	[tilespmem:$0x1FF10] =	vst v0  }
0xbe: {  	v0 =	vld.idx.msk [tilespmem:v6+s3+$0x0], $0xffff  }
0xbf: {  	v8 =	vadd.s32 $0x2EE0, v32;
	_ =	sdelay $0x3  }
0xc0: {  	[tilespmem:$0x1FF20] =	vst v0  }
0xc1: {  	v7 =	vadd.s32 $0x2AF8, v13;
	v0 =	vld.idx.msk [tilespmem:v8+s3+$0x0], $0xffff  }
0xc2: {  	v4 =	vadd.s32 $0x32C8, v33;
	_ =	sdelay $0x3  }
0xc3: {  	v42 =	vld.idx.msk [tilespmem:v7+s3+$0x0], $0xffff;
	[tilespmem:$0x1FF50] =	vst v0  }
0xc4: {  	v0 =	vld.idx.msk [tilespmem:v4+s3+$0x0], $0xffff  }
0xc5: {  	v5 =	vadd.s32 $0x36B0, v34;
	_ =	sdelay $0x3  }
0xc6: {  	[tilespmem:$0x1FF60] =	vst v0  }
0xc7: {  	v0 =	vld.idx.msk [tilespmem:v5+s3+$0x0], $0xffff  }
0xc8: {  	v3 =	vadd.s32 $0x3A98, v36;
	_ =	sdelay $0x3  }
0xc9: {  	[tilespmem:$0x1FF70] =	vst v0  }
0xca: {  	v0 =	vld.idx.msk [tilespmem:v3+s3+$0x0], $0xffff  }
0xcb: {  	v6 =	vadd.s32 $0x3E80, v37;
	_ =	sdelay $0x3  }
0xcc: {  	[tilespmem:$0x1FF80] =	vst v0  }
0xcd: {  	v0 =	vld.idx.msk [tilespmem:v6+s3+$0x0], $0xffff  }
0xce: {  	v8 =	vadd.s32 $0x4650, v40;
	_ =	sdelay $0x3  }
0xcf: {  	[tilespmem:$0x1FF90] =	vst v0  }
0xd0: {  	v7 =	vadd.s32 $0x4268, v39;
	v0 =	vld.idx.msk [tilespmem:v8+s3+$0x0], $0xffff  }
0xd1: {  	v4 =	vadd.s32 $0x4A38, v41;
	_ =	sdelay $0x3  }
0xd2: {  	v47 =	vld.idx.msk [tilespmem:v7+s3+$0x0], $0xffff;
	[tilespmem:$0x1FFA0] =	vst v0  }
0xd3: {  	v0 =	vld.idx.msk [tilespmem:v4+s3+$0x0], $0xffff  }
0xd4: {  	v6 =	vadd.s32 $0x55F0, v45;
	_ =	sdelay $0x3  }
0xd5: {  	v5 =	vadd.s32 $0x4E20, v43;
	[tilespmem:$0x1FFB0] =	vst v0  }
0xd6: {  	v3 =	vadd.s32 $0x5208, v44;
	v0 =	vld.idx.msk [tilespmem:v6+s3+$0x0], $0xffff  }
0xd7: {  	v4 =	vadd.s32 $0x5DC0, v48;
	_ =	sdelay $0x2  }
0xd8: {  	v48 =	vld.idx.msk [tilespmem:v5+s3+$0x0], $0xffff  }
0xd9: {  	v7 =	vadd.s32 $0x59D8, v46;
	v50 =	vld.idx.msk [tilespmem:v3+s3+$0x0], $0xffff;
	[tilespmem:$0x1FFC0] =	vst v0  }
0xda: {  	v0 =	vld.idx.msk [tilespmem:v4+s3+$0x0], $0xffff  }
0xdb: {  	v5 =	vadd.s32 $0x61A8, v49;
	_ =	sdelay $0x2  }
0xdc: {  	v49 =	vld.idx.msk [tilespmem:v7+s3+$0x0], $0xffff  }
0xdd: {  	v51 =	vld.idx.msk [tilespmem:v51+s3+$0x0], $0xffff;
	[tilespmem:$0x1FFE0] =	vst v0  }
0xde: {  	v0 =	vld.idx.msk [tilespmem:v5+s3+$0x0], $0xffff;
	_ =	sdelay $0x1  }
0xdf: {  	s30 =	simm.s32 $0x100;
	s21 =	simm.s32 $0x20  }
0xe0: {  	s1 =	sand.u32 $0xC00, s30;
	s22 =	sand.u32 $0x60, s21  }
0xe1: {  	s0 =	sadd.s32 $0x6600, s1;
	s20 =	sor.u32 $0x10, s22  }
0xe2: {  	s31 =	sor.u32 s20, s0;
	[tilespmem:$0x1FFF0] =	vst v0  }
0xe3: {  	v3 =	vld [tilespmem:s31+$0x0]  }
0xe4: {  	v4 =	vld [tilespmem:s31+$0x80]  }
0xe5: {  	v5 =	vld [tilespmem:s31+$0x100]  }
0xe6: {  	v6 =	vld [tilespmem:s31+$0x180]  }
0xe7: {  	v7 =	vld [tilespmem:s31+$0x200]  }
0xe8: {  	v8 =	vld [tilespmem:s31+$0x280]  }
0xe9: {  	s2 =	sadd.s32 $0x7600, s1;
	v9 =	vld [tilespmem:s31+$0x300]  }
0xea: {  	s4 =	sadd.s32 $0x7680, s1;
	s5 =	sor.u32 s20, s2;
	v10 =	vld [tilespmem:s31+$0x380]  }
0xeb: {  	s8 =	sadd.s32 $0x7700, s1;
	s7 =	sor.u32 s20, s4;
	v11 =	vld [tilespmem:s5+$0x0]  }
0xec: {  	s9 =	sadd.s32 $0x7780, s1;
	s11 =	sor.u32 s20, s8;
	v12 =	vld [tilespmem:s7+$0x0];
	v5 =	vadd.s32 $0x7D0, v5  }
0xed: {  	s12 =	sor.u32 s20, s9;
	v13 =	vld [tilespmem:s11+$0x0];
	v4 =	vadd.s32 $0x3E8, v4  }
0xee: {  	s10 =	sadd.s32 $0x7800, s1;
	v59 =	vld [tilespmem:s12+$0x0];
	v6 =	vadd.s32 $0xBB8, v6  }
0xef: {  	s13 =	sor.u32 s20, s10;
	v52 =	vld.idx.msk [tilespmem:v3+s3+$0x0], $0xffff  }
0xf0: {  	v3 =	vadd.s32 $0xFA0, v7;
	v7 =	vld [tilespmem:s13+$0x0]  }
0xf1: {  	v54 =	vld.idx.msk [tilespmem:v5+s3+$0x0], $0xffff;
	v5 =	vadd.s32 $0x1770, v9  }
0xf2: {  	s11 =	sadd.s32 $0x7880, s1;
	v53 =	vld.idx.msk [tilespmem:v4+s3+$0x0], $0xffff;
	v4 =	vadd.s32 $0x1388, v8  }
0xf3: {  	s14 =	sor.u32 s20, s11;
	v55 =	vld.idx.msk [tilespmem:v6+s3+$0x0], $0xffff;
	v6 =	vadd.s32 $0x1B58, v10  }
0xf4: {  	v8 =	vadd.s32 $0x1F40, v11;
	v9 =	vld [tilespmem:s14+$0x0]  }
0xf5: {  	v56 =	vld.idx.msk [tilespmem:v3+s3+$0x0], $0xffff  }
0xf6: {  	v58 =	vld.idx.msk [tilespmem:v5+s3+$0x0], $0xffff;
	v5 =	vadd.s32 $0x2AF8, v59  }
0xf7: {  	v57 =	vld.idx.msk [tilespmem:v4+s3+$0x0], $0xffff  }
0xf8: {  	s25 =	sadd.s32 $0x8700, s1;
	v3 =	vadd.s32 $0x2328, v12;
	v60 =	vld.idx.msk [tilespmem:v6+s3+$0x0], $0xffff  }
0xf9: {  	s5 =	sor.u32 s20, s25;
	v4 =	vadd.s32 $0x2710, v13;
	v59 =	vld.idx.msk [tilespmem:v8+s3+$0x0], $0xffff  }
0xfa: {  	s28 =	sadd.s32 $0x8600, s1;
	v6 =	vadd.s32 $0x2EE0, v7;
	v7 =	vadd.s32 $0x32C8, v9;
	v9 =	vld [tilespmem:s5+$0x0]  }
0xfb: {  	s24 =	sor.u32 s20, s28;
	v44 =	vld.idx.msk [tilespmem:v5+s3+$0x0], $0xffff  }
0xfc: {  	v5 =	vld [tilespmem:s24+$0x0]  }
0xfd: {  	v61 =	vld.idx.msk [tilespmem:v3+s3+$0x0], $0xffff  }
0xfe: {  	s29 =	sadd.s32 $0x7980, s1;
	v62 =	vld.idx.msk [tilespmem:v4+s3+$0x0], $0xffff  }
0xff: {  	s23 =	sor.u32 s20, s29;
	s14 =	sadd.s32 $0x8900, s1;
	v43 =	vld.idx.msk [tilespmem:v7+s3+$0x0], $0xffff  }
0x100: {  	s30 =	sadd.s32 $0x7900, s1;
	s5 =	sor.u32 s20, s14;
	v4 =	vld [tilespmem:s23+$0x0]  }
0x101: {  	s16 =	sor.u32 s20, s30;
	s23 =	sadd.s32 $0x8800, s1;
	v7 =	vld [tilespmem:s5+$0x0];
	v0 =	vadd.s32 $0x3E80, v5  }
0x102: {  	v3 =	vld [tilespmem:s16+$0x0];
	s24 =	sadd.s32 $0x8780, s1;
	s16 =	sor.u32 s20, s23  }
0x103: {  	s7 =	sor.u32 s20, s24;
	v10 =	vld [tilespmem:s16+$0x0];
	s16 =	sadd.s32 $0x8980, s1  }
0x104: {  	v8 =	vld [tilespmem:s7+$0x0];
	s7 =	sor.u32 s20, s16  }
0x105: {  	v1 =	vld [tilespmem:s7+$0x0]  }
0x106: {  	v40 =	vld.idx.msk [tilespmem:v0+s3+$0x0], $0xffff;
	v0 =	vadd.s32 $0x55F0, v7;
	_ =	sdelay $0x3  }
0x107: {  	v1 =	vadd.s32 $0x59D8, v1  }
0x108: {  	v34 =	vld.idx.msk [tilespmem:v0+s3+$0x0], $0xffff  }
0x109: {  	s26 =	sadd.s32 $0x8680, s1;
	v0 =	vld [tilespmem:$0x1FDE0]  }
0x10a: {  	s31 =	sor.u32 s20, s26;
	v63 =	vld.idx.msk [tilespmem:v6+s3+$0x0], $0xffff  }
0x10b: {  	v6 =	vld [tilespmem:s31+$0x0]  }
0x10c: {  	v32 =	vld.idx.msk [tilespmem:v1+s3+$0x0], $0xffff  }
0x10d: {  	v1 =	vld [tilespmem:$0x1FE00]  }
0x10e: {  	v11 =	vadd.s32 $0x36B0, v3;
	v3 =	vadd.s32 $0x4650, v9;
	v9 =	vadd.f32 v0, v29;
	v0 =	vld [tilespmem:$0x1FDF0];
	_ =	sdelay $0x4  }
0x10f: {  	v6 =	vadd.s32 $0x4268, v6;
	v5 =	vadd.s32 $0x4A38, v8;
	v8 =	vadd.f32 v1, v0;
	v0 =	vld [tilespmem:$0x1FE10]  }
0x110: {  	v1 =	vld [tilespmem:$0x1FE20];
	_ =	sdelay $0x3  }
0x111: {  	v4 =	vadd.s32 $0x3A98, v4;
	v38 =	vld.idx.msk [tilespmem:v6+s3+$0x0], $0xffff  }
0x112: {  	v6 =	vadd.f32 v1, v0;
	v0 =	vld [tilespmem:$0x1FE30]  }
0x113: {  	s13 =	sadd.s32 $0x8880, s1;
	v1 =	vld [tilespmem:$0x1FE40]  }
0x114: {  	s31 =	sor.u32 s20, s13  }
0x115: {  	v2 =	vld [tilespmem:s31+$0x0]  }
0x116: {  	v39 =	vld.idx.msk [tilespmem:v4+s3+$0x0], $0xffff  }
0x117: {  	v33 =	vld.idx.msk [tilespmem:v5+s3+$0x0], $0xffff  }
0x118: {  	v4 =	vadd.s32 $0x4E20, v10;
	v5 =	vadd.f32 v1, v0;
	v0 =	vld [tilespmem:$0x1FE50]  }
0x119: {  	v1 =	vld [tilespmem:$0x1FE60];
	_ =	sdelay $0x3  }
0x11a: {  	v2 =	vadd.s32 $0x5208, v2;
	v36 =	vld.idx.msk [tilespmem:v4+s3+$0x0], $0xffff  }
0x11b: {  	v4 =	vadd.f32 v1, v0;
	v0 =	vld [tilespmem:$0x1FE70];
	_ =	sdelay $0x1  }
0x11c: {  	v45 =	vld [tilespmem:$0x1FFA0]  }
0x11d: {  	v46 =	vld [tilespmem:$0x1FFB0]  }
0x11e: {  	v35 =	vld.idx.msk [tilespmem:v2+s3+$0x0], $0xffff  }
0x11f: {  	v2 =	vadd.f32 v0, v24;
	v0 =	vld [tilespmem:$0x1FE80];
	_ =	sdelay $0x2  }
0x120: {  	v45 =	vadd.f32 v46, v45;
	v46 =	vld [tilespmem:$0x1FFC0]  }
0x121: {  	v7 =	vadd.f32 v15, v14;
	v14 =	vld [tilespmem:$0x1FEA0]  }
0x122: {  	s2 =	sor.u32 s22, s2;
	v1 =	vadd.f32 v0, v25;
	v0 =	vld [tilespmem:$0x1FE90]  }
0x123: {  	s4 =	sor.u32 s22, s4;
	v16 =	vld [tilespmem:s2+$0x0]  }
0x124: {  	s8 =	sor.u32 s22, s8;
	v17 =	vld [tilespmem:s4+$0x0]  }
0x125: {  	v18 =	vld [tilespmem:s8+$0x0];
	_ =	sdelay $0x1  }
0x126: {  	s10 =	sor.u32 s22, s10;
	v46 =	vadd.f32 v49, v46;
	v49 =	vld [tilespmem:$0x1FFD0];
	v0 =	vadd.f32 v14, v0  }
0x127: {  	v20 =	vld [tilespmem:s10+$0x0];
	v16 =	vadd.s32 $0x1F40, v16  }
0x128: {  	v17 =	vadd.s32 $0x2328, v17;
	v0 =	vadd.f32 v0, v1;
	v1 =	vld [tilespmem:$0x1FEB0]  }
0x129: {  	s9 =	sor.u32 s22, s9;
	s12 =	sadd.s32 $0x9600, s1;
	v18 =	vadd.s32 $0x2710, v18;
	v37 =	vld.idx.msk [tilespmem:v3+s3+$0x0], $0xffff;
	v3 =	vadd.f32 v23, v22  }
0x12a: {  	v19 =	vld [tilespmem:s9+$0x0];
	s8 =	sor.u32 s22, s28;
	s28 =	sor.u32 s22, s12  }
0x12b: {  	v48 =	vadd.f32 v50, v48;
	v50 =	vld [tilespmem:s28+$0x0];
	v2 =	vadd.f32 v2, v3  }
0x12c: {  	v20 =	vadd.s32 $0x2EE0, v20;
	v16 =	vld.idx.msk [tilespmem:v16+s3+$0x0], $0xffff  }
0x12d: {  	v17 =	vld.idx.msk [tilespmem:v17+s3+$0x0], $0xffff;
	v0 =	vadd.f32 v0, v2;
	v1 =	vadd.f32 v1, v21  }
0x12e: {  	v18 =	vld.idx.msk [tilespmem:v18+s3+$0x0], $0xffff  }
0x12f: {  	v14 =	vadd.f32 v1, v0;
	v0 =	vld [tilespmem:$0x1FEC0]  }
0x130: {  	v1 =	vld [tilespmem:$0x1FED0]  }
0x131: {  	v20 =	vld.idx.msk [tilespmem:v20+s3+$0x0], $0xffff;
	s5 =	sor.u32 s20, s12  }
0x132: {  	v12 =	vld [tilespmem:s5+$0x0];
	s31 =	sor.u32 s22, s11  }
0x133: {  	v31 =	vld [tilespmem:s31+$0x0]  }
0x134: {  	v2 =	vld [tilespmem:$0x1FEF0]  }
0x135: {  	s1 =	sadd.s32 $0x9680, s1;
	v1 =	vadd.f32 v1, v0;
	v0 =	vld [tilespmem:$0x1FEE0]  }
0x136: {  	s7 =	sor.u32 s20, s1;
	v41 =	vld.idx.msk [tilespmem:v11+s3+$0x0], $0xffff;
	v11 =	vadd.f32 v27, v26;
	v10 =	vadd.f32 v30, v28  }
0x137: {  	v49 =	vadd.f32 v49, v51;
	v13 =	vld [tilespmem:s7+$0x0];
	s7 =	sor.u32 s22, s29;
	s29 =	sor.u32 s22, s1  }
0x138: {  	s5 =	sor.u32 s22, s30;
	v51 =	vld [tilespmem:s29+$0x0];
	v10 =	vadd.f32 v10, v11;
	v8 =	vadd.f32 v8, v9  }
0x139: {  	v27 =	vld [tilespmem:s5+$0x0];
	v6 =	vadd.f32 v6, v7  }
0x13a: {  	v7 =	vadd.f32 v8, v10;
	v10 =	vadd.f32 v2, v0;
	v0 =	vld [tilespmem:$0x1FF00]  }
0x13b: {  	s9 =	sor.u32 s22, s26;
	v2 =	vld [tilespmem:$0x1FF10]  }
0x13c: {  	s23 =	sor.u32 s22, s23;
	v26 =	vld [tilespmem:s9+$0x0]  }
0x13d: {  	s10 =	sor.u32 s22, s25;
	s25 =	sor.u32 s22, s14;
	v12 =	vadd.s32 $0x5DC0, v12;
	v22 =	vld [tilespmem:s23+$0x0]  }
0x13e: {  	v23 =	vld [tilespmem:s25+$0x0]  }
0x13f: {  	v30 =	vld [tilespmem:s7+$0x0]  }
0x140: {  	v0 =	vadd.f32 v2, v0;
	v2 =	vld [tilespmem:$0x1FF20]  }
0x141: {  	v31 =	vadd.s32 $0x32C8, v31;
	v28 =	vld [tilespmem:s8+$0x0]  }
0x142: {  	s0 =	sor.u32 s22, s0;
	v12 =	vld.idx.msk [tilespmem:v12+s3+$0x0], $0xffff  }
0x143: {  	v11 =	vld [tilespmem:s0+$0x200]  }
0x144: {  	v4 =	vadd.f32 v4, v5;
	v3 =	vld [tilespmem:$0x1FF40]  }
0x145: {  	v42 =	vadd.f32 v42, v2;
	v2 =	vld [tilespmem:$0x1FF30]  }
0x146: {  	v13 =	vadd.s32 $0x61A8, v13;
	v31 =	vld.idx.msk [tilespmem:v31+s3+$0x0], $0xffff;
	v4 =	vadd.f32 v4, v6  }
0x147: {  	v26 =	vadd.s32 $0x4268, v26;
	v6 =	vld [tilespmem:s0+$0x100]  }
0x148: {  	v15 =	vadd.f32 v4, v7;
	v4 =	vld [tilespmem:s0+$0x180]  }
0x149: {  	v10 =	vadd.f32 v10, v1;
	v1 =	vld [tilespmem:$0x1FF50]  }
0x14a: {  	v3 =	vadd.f32 v3, v2;
	v2 =	vld [tilespmem:$0x1FF60]  }
0x14b: {  	v13 =	vld.idx.msk [tilespmem:v13+s3+$0x0], $0xffff  }
0x14c: {  	v44 =	vadd.f32 v44, v62;
	v62 =	vld.idx.msk [tilespmem:v26+s3+$0x0], $0xffff  }
0x14d: {  	v9 =	vld [tilespmem:s0+$0x380]  }
0x14e: {  	v6 =	vadd.s32 $0x7D0, v6;
	v42 =	vadd.f32 v42, v0;
	v0 =	vld [tilespmem:$0x1FF70]  }
0x14f: {  	v4 =	vadd.s32 $0xBB8, v4;
	v2 =	vadd.f32 v2, v1;
	v1 =	vld [tilespmem:$0x1FF80]  }
0x150: {  	v8 =	vld [tilespmem:s0+$0x280]  }
0x151: {  	v5 =	vld [tilespmem:s0+$0x80]  }
0x152: {  	v46 =	vadd.f32 v46, v48;
	v7 =	vld [tilespmem:s0+$0x300]  }
0x153: {  	v57 =	vadd.f32 v57, v56;
	v43 =	vadd.f32 v43, v63;
	v6 =	vld.idx.msk [tilespmem:v6+s3+$0x0], $0xffff  }
0x154: {  	v19 =	vadd.s32 $0x2AF8, v19;
	v39 =	vadd.f32 v39, v41;
	v4 =	vld.idx.msk [tilespmem:v4+s3+$0x0], $0xffff;
	v0 =	vadd.f32 v1, v0  }
0x155: {  	v38 =	vadd.f32 v38, v40;
	v11 =	vadd.s32 $0xFA0, v11;
	v33 =	vadd.f32 v33, v37;
	v1 =	vld [tilespmem:$0x1FF90]  }
0x156: {  	v56 =	vadd.f32 v39, v43;
	v29 =	vld [tilespmem:s10+$0x0];
	v9 =	vadd.s32 $0x1B58, v9;
	v2 =	vadd.f32 v0, v2  }
0x157: {  	v33 =	vadd.f32 v33, v38;
	v7 =	vadd.s32 $0x1770, v7;
	v3 =	vadd.f32 v3, v49;
	v49 =	vld [tilespmem:$0x1FFF0]  }
0x158: {  	v32 =	vadd.f32 v32, v34;
	v5 =	vadd.s32 $0x3E8, v5;
	v42 =	vadd.f32 v2, v42;
	v2 =	vld [tilespmem:$0x1FFE0]  }
0x159: {  	v12 =	vadd.f32 v13, v12;
	v13 =	vld.idx.msk [tilespmem:v19+s3+$0x0], $0xffff;
	v8 =	vadd.s32 $0x1388, v8;
	v4 =	vadd.f32 v4, v6  }
0x15a: {  	v11 =	vld.idx.msk [tilespmem:v11+s3+$0x0], $0xffff;
	v14 =	vadd.f32 v14, v15;
	v47 =	vadd.f32 v47, v1  }
0x15b: {  	v9 =	vld.idx.msk [tilespmem:v9+s3+$0x0], $0xffff;
	v3 =	vadd.f32 v10, v3;
	v10 =	vadd.f32 v55, v54  }
0x15c: {  	v54 =	vld.idx.msk [tilespmem:v7+s3+$0x0], $0xffff;
	v7 =	vadd.f32 v35, v36;
	v45 =	vadd.f32 v45, v47  }
0x15d: {  	v47 =	vadd.f32 v49, v2;
	v2 =	vld.idx.msk [tilespmem:v5+s3+$0x0], $0xffff;
	v5 =	vadd.f32 v53, v52  }
0x15e: {  	s11 =	sor.u32 s22, s24;
	v8 =	vld.idx.msk [tilespmem:v8+s3+$0x0], $0xffff;
	v52 =	vadd.f32 v60, v58;
	v53 =	vadd.f32 v61, v59  }
0x15f: {  	s24 =	sor.u32 s22, s13;
	v27 =	vadd.s32 $0x36B0, v27;
	v25 =	vld [tilespmem:s11+$0x0];
	v7 =	vadd.f32 v32, v7;
	v5 =	vadd.f32 v10, v5  }
0x160: {  	s26 =	sor.u32 s22, s16;
	v30 =	vadd.s32 $0x3A98, v30;
	v24 =	vld [tilespmem:s24+$0x0];
	v10 =	vadd.f32 v52, v57;
	v55 =	vadd.f32 v44, v53  }
0x161: {  	v21 =	vld [tilespmem:s26+$0x0];
	v15 =	vadd.s32 $0x4E20, v22;
	v7 =	vadd.f32 v7, v33;
	v45 =	vadd.f32 v46, v45  }
0x162: {  	v0 =	vld.msk [tilespmem:s6+$0x0], $0xffff;
	v5 =	vadd.f32 v10, v5;
	v10 =	vadd.s32 $0x3E80, v28;
	v57 =	vadd.f32 v56, v55  }
0x163: {  	v29 =	vadd.s32 $0x4650, v29;
	v1 =	vld [tilespmem:s0+$0x0];
	v3 =	vadd.f32 v42, v3;
	v58 =	vadd.f32 v47, v45  }
0x164: {  	v7 =	vadd.f32 v12, v7;
	v12 =	vadd.s32 $0x4A38, v25;
	v59 =	vld.idx.msk [tilespmem:v27+s3+$0x0], $0xffff;
	v5 =	vadd.f32 v57, v5  }
0x165: {  	v6 =	vadd.f32 v8, v11;
	v11 =	vadd.s32 $0x55F0, v23;
	v60 =	vld.idx.msk [tilespmem:v30+s3+$0x0], $0xffff;
	v3 =	vadd.f32 v58, v3  }
0x166: {  	v13 =	vadd.f32 v13, v18;
	v24 =	vadd.s32 $0x5208, v24;
	v8 =	vld.idx.msk [tilespmem:v15+s3+$0x0], $0xffff;
	v5 =	vadd.f32 v7, v5  }
0x167: {  	v3 =	vadd.f32 v3, v0;
	v61 =	vld.idx.msk [tilespmem:v10+s3+$0x0], $0xffff;
	v10 =	vadd.f32 v14, v0;
	v14 =	vadd.s32 $0x59D8, v21  }
0x168: {  	s30 =	sand.u32 $0x180, s18;
	s18 =	simm.s32 $0xA600;
	v7 =	vld.idx.msk [tilespmem:v29+s3+$0x0], $0xffff;
	v63 =	vadd.f32 v5, v0;
	v5 =	vadd.f32 v9, v54  }
0x169: {  	v15 =	vadd.f32 v31, v20;
	[tilespmem:s18+$0x0] =	vst v3;
	v3 =	vadd.s32 $0x5DC0, v50;
	v9 =	vld.idx.msk [tilespmem:v12+s3+$0x0], $0xffff;
	v12 =	vadd.f32 v17, v16  }
0x16a: {  	s31 =	sand.u32 $0x180, s21;
	v11 =	vld.idx.msk [tilespmem:v11+s3+$0x0], $0xffff;
	s0 =	sor.u32 s19, s30;
	v16 =	vadd.f32 v60, v59;
	v5 =	vadd.f32 v5, v6;
	v6 =	vadd.s32 $0x61A8, v51  }
0x16b: {  	[tilespmem:s0+$0xA600] =	vst v10;
	v10 =	vld.idx.msk [tilespmem:v24+s3+$0x0], $0xffff;
	s0 =	sor.u32 s20, s31;
	v12 =	vadd.f32 v13, v12  }
0x16c: {  	s21 =	simm.s32 $0x40;
	s19 =	simm.s32 $0x2;
	s20 =	simm.s32 $0x200;
	[tilespmem:s0+$0xA600] =	vst v63;
	v15 =	vadd.f32 v16, v15;
	v13 =	vld.idx.msk [tilespmem:v14+s3+$0x0], $0xffff;
	v14 =	vadd.f32 v62, v61  }
.LBB2_2:
0x16d: {  	s13 =	sand.u32 $0x60, s21;
	s4 =	sand.u32 $0xC00, s20;
	v16 =	vld.idx.msk [tilespmem:v1+s3+$0x0], $0xffff  }
0x16e: {  	s0 =	sadd.s32 $0x9600, s4;
	s25 =	sor.u32 $0x10, s13;
	v17 =	vld.idx.msk [tilespmem:v3+s3+$0x0], $0xffff;
	v3 =	vadd.f32 v9, v7;
	v7 =	vadd.f32 v15, v12  }
0x16f: {  	s1 =	sadd.s32 $0x9680, s4;
	s22 =	sor.u32 s13, s0;
	s0 =	sor.u32 s25, s0;
	v6 =	vld.idx.msk [tilespmem:v6+s3+$0x0], $0xffff  }
0x170: {  	s2 =	sadd.s32 $0x6600, s4;
	s23 =	sor.u32 s13, s1;
	v8 =	vadd.f32 v10, v8;
	v1 =	vld [tilespmem:s0+$0x0];
	s0 =	sor.u32 s25, s1;
	v9 =	vadd.f32 v3, v14  }
0x171: {  	s24 =	sor.u32 s13, s2;
	s1 =	sor.u32 s25, s2;
	v3 =	vld [tilespmem:s0+$0x0]  }
0x172: {  	v11 =	vadd.f32 v13, v11;
	v10 =	vld [tilespmem:s1+$0x0]  }
0x173: {  	v2 =	vadd.f32 v2, v16;
	v12 =	vld [tilespmem:s1+$0x80]  }
0x174: {  	v8 =	vadd.f32 v11, v8;
	v13 =	vld [tilespmem:s1+$0x100]  }
0x175: {  	v6 =	vadd.f32 v6, v17;
	v2 =	vadd.f32 v4, v2;
	v11 =	vld [tilespmem:s1+$0x180]  }
0x176: {  	v8 =	vadd.f32 v8, v9;
	v4 =	vld [tilespmem:s1+$0x200]  }
0x177: {  	v2 =	vadd.f32 v5, v2;
	v9 =	vld [tilespmem:s1+$0x280]  }
0x178: {  	s18 =	sadd.s32 $0x20, s18;
	s0 =	sadd.s32 $0x7600, s4;
	v6 =	vadd.f32 v6, v8;
	v5 =	vld [tilespmem:s1+$0x300]  }
0x179: {  	s2 =	sadd.s32 $0x7680, s4;
	s26 =	sor.u32 s13, s0;
	s0 =	sor.u32 s25, s0;
	v2 =	vadd.f32 v7, v2;
	v8 =	vld [tilespmem:s1+$0x380]  }
0x17a: {  	s28 =	sor.u32 s13, s2;
	s1 =	sadd.s32 $0x7700, s4;
	v7 =	vld [tilespmem:s0+$0x0];
	s0 =	sor.u32 s25, s2  }
0x17b: {  	s29 =	sor.u32 s13, s1;
	s2 =	sadd.s32 $0x7780, s4;
	v2 =	vadd.f32 v6, v2;
	v14 =	vld [tilespmem:s0+$0x0];
	s0 =	sor.u32 s25, s1  }
0x17c: {  	s30 =	sor.u32 s13, s2;
	s1 =	sadd.s32 $0x7800, s4;
	v6 =	vld [tilespmem:s0+$0x0];
	s0 =	sor.u32 s25, s2  }
0x17d: {  	s31 =	sor.u32 s13, s1;
	s2 =	sadd.s32 $0x7880, s4;
	v2 =	vadd.f32 v2, v0;
	v15 =	vld [tilespmem:s0+$0x0];
	s0 =	sor.u32 s25, s1  }
0x17e: {  	s5 =	sadd.s32 $0x7900, s4;
	s1 =	sor.u32 s13, s2;
	s2 =	sor.u32 s25, s2;
	v16 =	vld [tilespmem:s0+$0x0]  }
0x17f: {  	s8 =	sadd.s32 $0x7980, s4;
	s0 =	sor.u32 s13, s5;
	s5 =	sor.u32 s25, s5;
	v17 =	vld [tilespmem:s2+$0x0];
	[tilespmem:s18+$0x0] =	vst v2  }
0x180: {  	s9 =	sadd.s32 $0x8600, s4;
	s2 =	sor.u32 s13, s8;
	v2 =	vld [tilespmem:s5+$0x0];
	s5 =	sor.u32 s25, s8  }
0x181: {  	s11 =	sor.u32 s13, s9;
	s8 =	sadd.s32 $0x8680, s4;
	v18 =	vld [tilespmem:s5+$0x0];
	s5 =	sor.u32 s25, s9  }
0x182: {  	s16 =	sor.u32 s13, s8;
	s9 =	sadd.s32 $0x8700, s4;
	v19 =	vld [tilespmem:s5+$0x0];
	s5 =	sor.u32 s25, s8  }
0x183: {  	s10 =	sadd.s32 $0x8780, s4;
	s12 =	sor.u32 s13, s9;
	v20 =	vld [tilespmem:s5+$0x0];
	s5 =	sor.u32 s25, s9  }
0x184: {  	s14 =	sadd.s32 $0x8800, s4;
	s8 =	sor.u32 s13, s10;
	v21 =	vld [tilespmem:s5+$0x0];
	s5 =	sor.u32 s25, s10  }
0x185: {  	s6 =	sadd.s32 $0x8880, s4;
	s9 =	sor.u32 s13, s14;
	v22 =	vld [tilespmem:s5+$0x0];
	s5 =	sor.u32 s25, s14  }
0x186: {  	s7 =	sadd.s32 $0x8900, s4;
	v12 =	vadd.s32 $0x3E8, v12;
	s10 =	sor.u32 s13, s6;
	v23 =	vld [tilespmem:s5+$0x0];
	s5 =	sor.u32 s25, s6  }
0x187: {  	v13 =	vadd.s32 $0x7D0, v13;
	s4 =	sadd.s32 $0x8980, s4;
	s14 =	sor.u32 s13, s7;
	v24 =	vld [tilespmem:s5+$0x0];
	s5 =	sor.u32 s25, s7  }
0x188: {  	v11 =	vadd.s32 $0xBB8, v11;
	s13 =	sor.u32 s13, s4;
	s4 =	sor.u32 s25, s4;
	v25 =	vld [tilespmem:s5+$0x0]  }
0x189: {  	v4 =	vadd.s32 $0xFA0, v4;
	v26 =	vld [tilespmem:s4+$0x0]  }
0x18a: {  	v9 =	vadd.s32 $0x1388, v9;
	v10 =	vld.idx.msk [tilespmem:v10+s3+$0x0], $0xffff  }
0x18b: {  	v5 =	vadd.s32 $0x1770, v5;
	v12 =	vld.idx.msk [tilespmem:v12+s3+$0x0], $0xffff  }
0x18c: {  	v8 =	vadd.s32 $0x1B58, v8;
	v13 =	vld.idx.msk [tilespmem:v13+s3+$0x0], $0xffff  }
0x18d: {  	v7 =	vadd.s32 $0x1F40, v7;
	v11 =	vld.idx.msk [tilespmem:v11+s3+$0x0], $0xffff  }
0x18e: {  	v14 =	vadd.s32 $0x2328, v14;
	v4 =	vld.idx.msk [tilespmem:v4+s3+$0x0], $0xffff  }
0x18f: {  	v6 =	vadd.s32 $0x2710, v6;
	v9 =	vld.idx.msk [tilespmem:v9+s3+$0x0], $0xffff  }
0x190: {  	v15 =	vadd.s32 $0x2AF8, v15;
	v5 =	vld.idx.msk [tilespmem:v5+s3+$0x0], $0xffff  }
0x191: {  	v16 =	vadd.s32 $0x2EE0, v16;
	v8 =	vld.idx.msk [tilespmem:v8+s3+$0x0], $0xffff  }
0x192: {  	v17 =	vadd.s32 $0x32C8, v17;
	v7 =	vld.idx.msk [tilespmem:v7+s3+$0x0], $0xffff  }
0x193: {  	v2 =	vadd.s32 $0x36B0, v2;
	v14 =	vld.idx.msk [tilespmem:v14+s3+$0x0], $0xffff  }
0x194: {  	v18 =	vadd.s32 $0x3A98, v18;
	v6 =	vld.idx.msk [tilespmem:v6+s3+$0x0], $0xffff  }
0x195: {  	s19 =	sadd.s32 $0x2, s19;
	v19 =	vadd.s32 $0x3E80, v19;
	v15 =	vld.idx.msk [tilespmem:v15+s3+$0x0], $0xffff  }
0x196: {  	p4 =	slt.u32 s19, $0x1E;
	v20 =	vadd.s32 $0x4268, v20;
	v16 =	vld.idx.msk [tilespmem:v16+s3+$0x0], $0xffff  }
0x197: {  	v21 =	vadd.s32 $0x4650, v21;
	v17 =	vld.idx.msk [tilespmem:v17+s3+$0x0], $0xffff  }
0x198: {  	v22 =	vadd.s32 $0x4A38, v22;
	v2 =	vld.idx.msk [tilespmem:v2+s3+$0x0], $0xffff  }
0x199: {  	v23 =	vadd.s32 $0x4E20, v23;
	v18 =	vld.idx.msk [tilespmem:v18+s3+$0x0], $0xffff  }
0x19a: {  	v24 =	vadd.s32 $0x5208, v24;
	v19 =	vld.idx.msk [tilespmem:v19+s3+$0x0], $0xffff  }
0x19b: {  	v25 =	vadd.s32 $0x55F0, v25;
	v20 =	vld.idx.msk [tilespmem:v20+s3+$0x0], $0xffff  }
0x19c: {  	v26 =	vadd.s32 $0x59D8, v26;
	v21 =	vld.idx.msk [tilespmem:v21+s3+$0x0], $0xffff  }
0x19d: {  	v22 =	vld.idx.msk [tilespmem:v22+s3+$0x0], $0xffff  }
0x19e: {  	v23 =	vld.idx.msk [tilespmem:v23+s3+$0x0], $0xffff  }
0x19f: {  	v1 =	vadd.s32 $0x5DC0, v1;
	v24 =	vld.idx.msk [tilespmem:v24+s3+$0x0], $0xffff  }
0x1a0: {  	v3 =	vadd.s32 $0x61A8, v3;
	v25 =	vld.idx.msk [tilespmem:v25+s3+$0x0], $0xffff  }
0x1a1: {  	v26 =	vld.idx.msk [tilespmem:v26+s3+$0x0], $0xffff  }
0x1a2: {  	v10 =	vadd.f32 v12, v10;
	v11 =	vadd.f32 v11, v13;
	v27 =	vld [tilespmem:s24+$0x80]  }
0x1a3: {  	v4 =	vadd.f32 v9, v4;
	v5 =	vadd.f32 v8, v5;
	v12 =	vld [tilespmem:s24+$0x100]  }
0x1a4: {  	v7 =	vadd.f32 v14, v7;
	v6 =	vadd.f32 v15, v6;
	v1 =	vld.idx.msk [tilespmem:v1+s3+$0x0], $0xffff  }
0x1a5: {  	v8 =	vadd.f32 v17, v16;
	v2 =	vadd.f32 v18, v2;
	v3 =	vld.idx.msk [tilespmem:v3+s3+$0x0], $0xffff  }
0x1a6: {  	v13 =	vadd.f32 v20, v19;
	v14 =	vadd.f32 v22, v21;
	v9 =	vld [tilespmem:s24+$0x180]  }
0x1a7: {  	v17 =	vadd.f32 v24, v23;
	v18 =	vadd.f32 v26, v25;
	v15 =	vadd.s32 $0x3E8, v27;
	v16 =	vld [tilespmem:s24+$0x200]  }
0x1a8: {  	v10 =	vadd.f32 v11, v10;
	v4 =	vadd.f32 v5, v4;
	v12 =	vadd.s32 $0x7D0, v12;
	v19 =	vld [tilespmem:s24+$0x280]  }
0x1a9: {  	v6 =	vadd.f32 v6, v7;
	v2 =	vadd.f32 v2, v8;
	v5 =	vld [tilespmem:s24+$0x300]  }
0x1aa: {  	v8 =	vadd.f32 v14, v13;
	v11 =	vadd.f32 v18, v17;
	v7 =	vld [tilespmem:s24+$0x380]  }
0x1ab: {  	v1 =	vadd.f32 v3, v1;
	v3 =	vadd.f32 v4, v10;
	v9 =	vadd.s32 $0xBB8, v9;
	v13 =	vld [tilespmem:s26+$0x0]  }
0x1ac: {  	v2 =	vadd.f32 v2, v6;
	v6 =	vadd.f32 v11, v8;
	v4 =	vadd.s32 $0xFA0, v16;
	v10 =	vld [tilespmem:s28+$0x0]  }
0x1ad: {  	v8 =	vadd.s32 $0x1388, v19;
	v11 =	vld [tilespmem:s29+$0x0]  }
0x1ae: {  	v2 =	vadd.f32 v2, v3;
	v1 =	vadd.f32 v1, v6;
	v5 =	vadd.s32 $0x1770, v5;
	v14 =	vld [tilespmem:s30+$0x0]  }
0x1af: {  	v7 =	vadd.s32 $0x1B58, v7;
	v3 =	vld [tilespmem:s31+$0x0]  }
0x1b0: {  	v1 =	vadd.f32 v1, v2;
	v13 =	vadd.s32 $0x1F40, v13;
	v6 =	vld [tilespmem:s1+$0x0]  }
0x1b1: {  	v10 =	vadd.s32 $0x2328, v10;
	v2 =	vld [tilespmem:s0+$0x0]  }
0x1b2: {  	v1 =	vadd.f32 v1, v0;
	s0 =	sand.u32 $0x180, s21;
	v11 =	vadd.s32 $0x2710, v11;
	v16 =	vld [tilespmem:s2+$0x0]  }
0x1b3: {  	s0 =	sor.u32 s25, s0;
	v14 =	vadd.s32 $0x2AF8, v14;
	v17 =	vld [tilespmem:s11+$0x0]  }
0x1b4: {  	v18 =	vadd.s32 $0x2EE0, v3;
	v3 =	vld [tilespmem:s16+$0x0];
	[tilespmem:s0+$0xA600] =	vst v1  }
0x1b5: {  	v19 =	vadd.s32 $0x32C8, v6;
	v1 =	vld [tilespmem:s12+$0x0]  }
0x1b6: {  	v20 =	vadd.s32 $0x36B0, v2;
	v2 =	vld [tilespmem:s8+$0x0]  }
0x1b7: {  	v16 =	vadd.s32 $0x3A98, v16;
	v6 =	vld [tilespmem:s9+$0x0]  }
0x1b8: {  	v17 =	vadd.s32 $0x3E80, v17;
	v21 =	vld [tilespmem:s10+$0x0]  }
0x1b9: {  	v22 =	vadd.s32 $0x4268, v3;
	v3 =	vld [tilespmem:s14+$0x0]  }
0x1ba: {  	v23 =	vadd.s32 $0x4650, v1;
	v24 =	vld [tilespmem:s13+$0x0]  }
0x1bb: {  	v1 =	vld [tilespmem:s24+$0x0];
	v25 =	vadd.s32 $0x4A38, v2  }
0x1bc: {  	v26 =	vadd.s32 $0x4E20, v6;
	v6 =	vld [tilespmem:s22+$0x0]  }
0x1bd: {  	v21 =	vadd.s32 $0x5208, v21;
	v27 =	vld [tilespmem:s23+$0x0]  }
0x1be: {  	v2 =	vld.idx.msk [tilespmem:v15+s3+$0x0], $0xffff;
	v15 =	vadd.s32 $0x55F0, v3  }
0x1bf: {  	v12 =	vld.idx.msk [tilespmem:v12+s3+$0x0], $0xffff;
	v24 =	vadd.s32 $0x59D8, v24  }
0x1c0: {  	v9 =	vld.idx.msk [tilespmem:v9+s3+$0x0], $0xffff  }
0x1c1: {  	v28 =	vld.idx.msk [tilespmem:v4+s3+$0x0], $0xffff;
	v3 =	vadd.s32 $0x5DC0, v6  }
0x1c2: {  	v8 =	vld.idx.msk [tilespmem:v8+s3+$0x0], $0xffff;
	v6 =	vadd.s32 $0x61A8, v27  }
0x1c3: {  	v5 =	vld.idx.msk [tilespmem:v5+s3+$0x0], $0xffff  }
0x1c4: {  	v7 =	vld.idx.msk [tilespmem:v7+s3+$0x0], $0xffff  }
0x1c5: {  	v13 =	vld.idx.msk [tilespmem:v13+s3+$0x0], $0xffff  }
0x1c6: {  	v4 =	vadd.f32 v9, v12;
	v10 =	vld.idx.msk [tilespmem:v10+s3+$0x0], $0xffff  }
0x1c7: {  	v9 =	vld.idx.msk [tilespmem:v11+s3+$0x0], $0xffff  }
0x1c8: {  	v8 =	vadd.f32 v8, v28;
	v11 =	vld.idx.msk [tilespmem:v14+s3+$0x0], $0xffff  }
0x1c9: {  	v12 =	vld.idx.msk [tilespmem:v18+s3+$0x0], $0xffff  }
0x1ca: {  	v5 =	vadd.f32 v7, v5;
	v14 =	vld.idx.msk [tilespmem:v19+s3+$0x0], $0xffff  }
0x1cb: {  	v18 =	vld.idx.msk [tilespmem:v20+s3+$0x0], $0xffff  }
0x1cc: {  	v10 =	vadd.f32 v10, v13;
	v5 =	vadd.f32 v5, v8;
	v16 =	vld.idx.msk [tilespmem:v16+s3+$0x0], $0xffff  }
0x1cd: {  	v17 =	vld.idx.msk [tilespmem:v17+s3+$0x0], $0xffff  }
0x1ce: {  	v8 =	vadd.f32 v11, v9;
	v19 =	vld.idx.msk [tilespmem:v22+s3+$0x0], $0xffff  }
0x1cf: {  	v7 =	vld.idx.msk [tilespmem:v23+s3+$0x0], $0xffff  }
.Ltmp0:
0x1d0: {  	v20 =	vadd.f32 v14, v12;
	v12 =	vadd.f32 v8, v10;
	v9 =	vld.idx.msk [tilespmem:v25+s3+$0x0], $0xffff;
	(pc) =	sbr.rel @p4 .LBB2_2-.Ltmp0, $4  }
0x1d1: {  	v8 =	vld.idx.msk [tilespmem:v26+s3+$0x0], $0xffff  }
0x1d2: {  	v16 =	vadd.f32 v16, v18;
	v10 =	vld.idx.msk [tilespmem:v21+s3+$0x0], $0xffff  }
0x1d3: {  	v11 =	vld.idx.msk [tilespmem:v15+s3+$0x0], $0xffff  }
0x1d4: {  	s20 =	sadd.s32 $0x100, s20;
	s21 =	sadd.s32 $0x20, s21;
	v14 =	vadd.f32 v19, v17;
	v15 =	vadd.f32 v16, v20;
	v13 =	vld.idx.msk [tilespmem:v24+s3+$0x0], $0xffff  }
0x1d5: {  	_ =	sdelay $0x3  }
0x1d6: {  	v1 =	vld.idx.msk [tilespmem:v1+s3+$0x0], $0xffff;
	_ =	sdelay $0x1  }
0x1d7: {  	v3 =	vld.idx.msk [tilespmem:v3+s3+$0x0], $0xffff  }
0x1d8: {  	v6 =	vld.idx.msk [tilespmem:v6+s3+$0x0], $0xffff  }
0x1d9: {  	v7 =	vadd.f32 v9, v7;
	v8 =	vadd.f32 v10, v8  }
0x1da: {  	v60 =	vadd.f32 v13, v11;
	v1 =	vadd.f32 v2, v1  }
0x1db: {  	v61 =	vadd.f32 v7, v14  }
0x1dc: {  	v62 =	vadd.f32 v60, v8;
	v1 =	vadd.f32 v4, v1  }
0x1dd: {  	v63 =	vadd.f32 v15, v12;
	v3 =	vadd.f32 v6, v3  }
0x1de: {  	v2 =	vadd.f32 v62, v61;
	v1 =	vadd.f32 v5, v1;
	_ =	sdelay $0x1  }
0x1df: {  	v2 =	vadd.f32 v3, v2;
	v1 =	vadd.f32 v63, v1;
	_ =	sdelay $0x1  }
0x1e0: {  	v1 =	vadd.f32 v2, v1;
	_ =	sdelay $0x1  }
0x1e1: {  	v0 =	vadd.f32 v1, v0  }
0x1e2: {  	s0 =	sadd.s32 $0x20, s18  }
0x1e3: {  	[tilespmem:s0+$0x0] =	vst v0  }
0x1e4: {  	s1 =	simm.s32 $0xA600;
	s7 =	simm.s32 $0x3;
	s0 =	rddreg [dreg:$0x9]  }
0x1e5: {  	[hbm4b:s0+s3] =	stream.linear.scatter [tilespmem:s1], [sflag:$0x3], $0x200, $0x38;
	[tilespmem:$0xA880] =	vst v63  }
0x1e6: {  	_ =	swait.ge [sflag:s7], $0x200  }
0x1e7: {  	s17 =	sadd.s32 $0x1, s17;
	s31 =	rddreg [dreg:$0xa]  }
0x1e8: {  	p4 =	sne.s32 s17, s31  }
.Ltmp1:
0x1e9: {  	_ = 	snop;
	(pc) =	sbr.rel @p4 .LBB2_1-.Ltmp1, $3  }
0x1ea: {  	_ =	sdelay $0x1  }
0x1eb: {  	[sflag:s7] =	ssyncset.done $0x0  }
0x1ec: {  	[sflag:s7] =	ssyncadd.s32 $0xFFFFFE00  }
0x1ed: {  	_ =	sfence.sel $0x180000  }
0x1ee: {  	[bflag:$0x0] =	sbarrier.arrive $0xFFFF  }
0x1ef: {  	_ =	strace $0x90000047  }
0x1f0: {  	s0 =	stileid.u32;
	[bflag:$0x2] =	sbarrier.arrive $0xFFFF  }
0x1f1: {  	p0 =	sne.s32 s0, $0x0;
	s0 =	rddreg [dreg:$0x3]  }
0x1f2: {  	s0 =	sadd.s32 @!p0 $0x100000, s0  }
0x1f3: {  	[sflag:s0] =	ssyncadd.tile.s32 @!p0 $0x1;
	_ =	shalt  }
.Lfunc_end2:
_tile_overlayer_lowered:
.L_overlay_start_2:
0x1f4: {  	(tag) =	ssettag $0x2  }
0x1f5: {  	s0 =	rddreg [dreg:$0x0];
	s2 =	stileid.u32  }
0x1f6: {  	s1 =	rddreg [dreg:$0x1];
	p0 =	sne.s32 s2, $0x0  }
0x1f7: {  	s3 =	rddreg [dreg:$0x2];
	[bflag:$0x3] =	sbarrier.arrive $0xFFFF;
	s2 =	simm.s32 @!p0 $0x1C03  }
0x1f8: {  	[timem:s3], [sflag:s2] =	dma.local @!p0 [hbm:s0], s1  }
0x1f9: {  	s0 =	simm.s32 @!p0 $0x3  }
0x1fa: {  	_ =	swait.ge @!p0 [sflag:s0], s1  }
0x1fb: {  	s1 =	ssub.s32 @!p0 $0x0, s1;
	[sflag:s0] =	ssyncset.done @!p0 $0x0  }
0x1fc: {  	[sflag:s0] =	ssyncadd.s32 @!p0 s1  }
0x1fd: {  	[bflag:$0x3] =	sbarrier.arrive $0xFFFF  }
0x1fe: {  	_ =	shalt  }

</sc_bundles>
